<compile_context>
chip_gen: v7x
topology: tpu7x:2x2x1
jax: 0.10.2.dev20260603
libtpu: 0.0.44.dev20260713+nightly
codegen_flags: <defaults>
</compile_context>

<pallas_src>
import functools

import jax
import jax.numpy as jnp
from jax import lax
from jax.experimental import pallas as pl
from jax.experimental.pallas import tpu as pltpu
from jax.experimental.pallas import tpu_sc as plsc

_V = 1000000
_D = 32
_B = 16384
_L = 16
_NC = 2
_NS = 16
_BPW = _B // (_NC * _NS)
_IC = 128
_NIC = _BPW // _IC

_C = 8192
_NSTEP = -(-_V // _C)
_HV = _NSTEP * _C
_ZW = 10
_ZCH = _V // _ZW
_ZCHUNK = 20000
_ZITER = _ZCH // _ZCHUNK


def _sc_hist(movies_hbm, zeros_hbm, hist_hbm, idx_v, ones_v, buf_v, hist_sh):
    cid = lax.axis_index("c")
    sid = lax.axis_index("s")

    @pl.when(sid < _ZW)
    def _():
        pltpu.sync_copy(zeros_hbm, buf_v)
        for z in range(_ZITER):
            pltpu.sync_copy(
                buf_v, hist_sh.at[pl.ds(sid * _ZCH + z * _ZCHUNK, _ZCHUNK)])

    base = (cid * _NS + sid) * _BPW
    for j in range(_NIC):
        pltpu.sync_copy(movies_hbm.at[pl.ds(base + j * _IC, _IC)],
                        idx_v.at[j])

    for k in range(_IC // _L):
        ones_v[pl.ds(k * _L, _L)] = jnp.full((_L,), 1.0, jnp.float32)

    plsc.subcore_barrier()

    for j in range(_NIC):
        pltpu.sync_copy(ones_v, hist_sh.at[idx_v.at[j]], add=True)

    plsc.subcore_barrier()

    @pl.when(sid < _ZW)
    def _():
        for z in range(_ZITER):
            off = sid * _ZCH + z * _ZCHUNK
            pltpu.sync_copy(hist_sh.at[pl.ds(off, _ZCHUNK)], buf_v)
            pltpu.sync_copy(buf_v, hist_hbm.at[pl.ds(cid * _HV + off, _ZCHUNK)])


def _tc_matvec(tabT_ref, h0_ref, h1_ref, userT_ref, out_ref, acc_ref):
    i = pl.program_id(0)

    @pl.when(i == 0)
    def _():
        acc_ref[...] = jnp.zeros_like(acc_ref)

    h = h0_ref[...] + h1_ref[...]
    prod = tabT_ref[...] * h[None, :]
    cols = i * _C + lax.broadcasted_iota(jnp.int32, (_D, _C), 1)
    prod = jnp.where(cols < _V, prod, 0.0)
    acc_ref[...] += jnp.sum(prod.reshape(_D, _C // 128, 128), axis=1)

    @pl.when(i == _NSTEP - 1)
    def _():
        s = jnp.sum(acc_ref[...], axis=1, keepdims=True)
        out_ref[...] = s * userT_ref[...]


@jax.jit
def _run(movies, movie_table, user_table):
    zeros = jnp.zeros((_ZCHUNK,), jnp.float32)
    mesh = plsc.VectorSubcoreMesh(core_axis_name="c", subcore_axis_name="s")
    hist = pl.kernel(
        _sc_hist,
        out_type=jax.ShapeDtypeStruct((_NC * _HV,), jnp.float32),
        mesh=mesh,
        scratch_types=[
            pltpu.VMEM((_NIC, _IC), jnp.int32),
            pltpu.VMEM((_IC,), jnp.float32),
            pltpu.VMEM((_ZCHUNK,), jnp.float32),
            pltpu.VMEM_SHARED((_V,), jnp.float32),
        ],
    )(movies, zeros)

    tabT = movie_table.T
    userT = user_table.T
    out = pl.pallas_call(
        _tc_matvec,
        grid=(_NSTEP,),
        in_specs=[
            pl.BlockSpec((_D, _C), lambda i: (0, i)),
            pl.BlockSpec((_C,), lambda i: (i,)),
            pl.BlockSpec((_C,), lambda i: (i + _NSTEP,)),
            pl.BlockSpec((_D, 1), lambda i: (0, 0)),
        ],
        out_specs=pl.BlockSpec((_D, 1), lambda i: (0, 0)),
        out_shape=jax.ShapeDtypeStruct((_D, 1), jnp.float32),
        scratch_shapes=[pltpu.VMEM((_D, 128), jnp.float32)],
    )(tabT, hist, hist, userT)
    return out.reshape(1, _D)


def kernel(users, movies, movie_table, user_table):
    return _run(movies.astype(jnp.int32), movie_table, user_table)

# --- scband reference (transcript-rebuilt; emitter-appended) ---
"""Pipeline reference for scband-model-84232898609810 (READ-ONLY COPY).

The authoritative reference and input builder live on the scoring server;
editing this copy changes nothing except your own understanding.
"""

import jax, jax.numpy as jnp
import numpy as np

NUM_MOVIES = 1000000
EMBED_DIM = 32
BATCH = 16384


def setup_inputs(seed: int = 0) -> dict:
    key = jax.random.key(seed)
    k1, k2, k3 = jax.random.split(key, 3)
    users = jnp.zeros((1,), dtype=jnp.int64 if jax.config.jax_enable_x64 else jnp.int32)
    movies = jax.random.randint(k1, (BATCH,), 0, NUM_MOVIES)
    movie_table = jax.random.normal(k2, (NUM_MOVIES, EMBED_DIM), dtype=jnp.float32)
    user_table = jax.random.normal(k3, (1, EMBED_DIM), dtype=jnp.float32)
    return {"users": users, "movies": movies, "movie_table": movie_table, "user_table": user_table}


def reference(users, movies, movie_table, user_table):
    # w = self.one_user_embedding(users).unsqueeze(0)  -> [1, len(users), D]
    w = jnp.take(user_table, users, axis=0)[None, ...]
    # v = self.movie_embeddings(movies)                -> [B, D]
    v = jnp.take(movie_table, movies, axis=0)
    # torch.sum(w * v, dim=1): broadcast [1, len(users), D] * [B, D]
    # with users of shape [1] this broadcasts to [1, B, D]; sum over dim=1 -> [1, D]
    return jnp.sum(w * v, axis=1)

if __name__ == "__main__":
    import jax
    _d = setup_inputs()
    print(jax.jit(kernel)(*tuple(_d.values())))

</pallas_src>

<mosaic_0001>
#map = affine_map<(d0, d1) -> (0)>
module attributes {stable_mosaic.version = 14 : i64} {
  func.func @_sc_hist(%arg0: i32, %arg1: i32, %arg2: memref<16384xi32, #tpu.memory_space<hbm>>, %arg3: memref<20000xf32, #tpu.memory_space<hbm>>, %arg4: memref<2015232xf32, #tpu.memory_space<hbm>>, %arg5: memref<4x128xi32, #tpu.memory_space<vmem>>, %arg6: memref<128xf32, #tpu.memory_space<vmem>>, %arg7: memref<20000xf32, #tpu.memory_space<vmem>>, %arg8: memref<1000000xf32, #tpu.memory_space<vmem_shared>>) attributes {dimension_semantics = [#tpu.dimension_semantics<core_parallel>, #tpu.dimension_semantics<subcore_parallel>], iteration_bounds = array<i64: 2, 16>, scalar_prefetch = 0 : i64, scratch_operands = 4 : i64, tpu.core_type = #tpu.core_type<sc_vector_subcore>, window_params = [{transform_indices = #map}, {transform_indices = #map}, {transform_indices = #map}]} {
    %lt3A = arith.constant 10 : i32
    %lt3A_0 = arith.cmpi slt, %arg1, %lt3A : i32
    %convert_element_type3A = arith.extui %lt3A_0 : i1 to i32
    %cond3A = arith.constant 0 : i32
    %cond3A_1 = arith.cmpi ne, %convert_element_type3A, %cond3A : i32
    scf.if %cond3A_1 {
      "tpu.region"() ({
        %run_scoped3A_92 = tpu.sem_alloc : memref<!tpu.dma_semaphore, #tpu.memory_space<semaphore_mem>>
        tpu.enqueue_dma source(%arg3 : memref<20000xf32, #tpu.memory_space<hbm>>) target(%arg7 : memref<20000xf32, #tpu.memory_space<vmem>>) target_semaphore(%run_scoped3A_92 : memref<!tpu.dma_semaphore, #tpu.memory_space<semaphore_mem>>)
        tpu.wait_dma2 semaphore(%run_scoped3A_92 : memref<!tpu.dma_semaphore, #tpu.memory_space<semaphore_mem>>) src(%arg3 : memref<20000xf32, #tpu.memory_space<hbm>>) dst(%arg7 : memref<20000xf32, #tpu.memory_space<vmem>>)
        tpu.yield
      }) : () -> ()
      %mul3A_72 = arith.constant 100000 : i32
      %mul3A_73 = arith.muli %arg1, %mul3A_72 : i32
      %add3A_74 = arith.constant 0 : i32
      %add3A_75 = arith.addi %mul3A_73, %add3A_74 : i32
      "tpu.region"() ({
        %run_scoped3A_92 = tpu.sem_alloc : memref<!tpu.dma_semaphore, #tpu.memory_space<semaphore_mem>>
        %dma_start3A = tpu.memref_slice %arg8[%add3A_75] : memref<1000000xf32, #tpu.memory_space<vmem_shared>> -> memref<20000xf32, #tpu.memory_space<vmem_shared>>
        %dma_start3A_93 = tpu.memref_slice %arg8[%add3A_75] : memref<1000000xf32, #tpu.memory_space<vmem_shared>> -> memref<20000xf32, #tpu.memory_space<vmem_shared>>
        tpu.enqueue_dma source(%arg7 : memref<20000xf32, #tpu.memory_space<vmem>>) target(%dma_start3A_93 : memref<20000xf32, #tpu.memory_space<vmem_shared>>) target_semaphore(%run_scoped3A_92 : memref<!tpu.dma_semaphore, #tpu.memory_space<semaphore_mem>>)
        %dma_wait3A = tpu.memref_slice %arg8[%add3A_75] : memref<1000000xf32, #tpu.memory_space<vmem_shared>> -> memref<20000xf32, #tpu.memory_space<vmem_shared>>
        %dma_wait3A_94 = tpu.memref_slice %arg8[%add3A_75] : memref<1000000xf32, #tpu.memory_space<vmem_shared>> -> memref<20000xf32, #tpu.memory_space<vmem_shared>>
        tpu.wait_dma2 semaphore(%run_scoped3A_92 : memref<!tpu.dma_semaphore, #tpu.memory_space<semaphore_mem>>) src(%arg7 : memref<20000xf32, #tpu.memory_space<vmem>>) dst(%dma_wait3A_94 : memref<20000xf32, #tpu.memory_space<vmem_shared>>)
        tpu.yield
      }) : () -> ()
      %mul3A_76 = arith.constant 100000 : i32
      %mul3A_77 = arith.muli %arg1, %mul3A_76 : i32
      %add3A_78 = arith.constant 20000 : i32
      %add3A_79 = arith.addi %mul3A_77, %add3A_78 : i32
      "tpu.region"() ({
        %run_scoped3A_92 = tpu.sem_alloc : memref<!tpu.dma_semaphore, #tpu.memory_space<semaphore_mem>>
        %dma_start3A = tpu.memref_slice %arg8[%add3A_79] : memref<1000000xf32, #tpu.memory_space<vmem_shared>> -> memref<20000xf32, #tpu.memory_space<vmem_shared>>
        %dma_start3A_93 = tpu.memref_slice %arg8[%add3A_79] : memref<1000000xf32, #tpu.memory_space<vmem_shared>> -> memref<20000xf32, #tpu.memory_space<vmem_shared>>
        tpu.enqueue_dma source(%arg7 : memref<20000xf32, #tpu.memory_space<vmem>>) target(%dma_start3A_93 : memref<20000xf32, #tpu.memory_space<vmem_shared>>) target_semaphore(%run_scoped3A_92 : memref<!tpu.dma_semaphore, #tpu.memory_space<semaphore_mem>>)
        %dma_wait3A = tpu.memref_slice %arg8[%add3A_79] : memref<1000000xf32, #tpu.memory_space<vmem_shared>> -> memref<20000xf32, #tpu.memory_space<vmem_shared>>
        %dma_wait3A_94 = tpu.memref_slice %arg8[%add3A_79] : memref<1000000xf32, #tpu.memory_space<vmem_shared>> -> memref<20000xf32, #tpu.memory_space<vmem_shared>>
        tpu.wait_dma2 semaphore(%run_scoped3A_92 : memref<!tpu.dma_semaphore, #tpu.memory_space<semaphore_mem>>) src(%arg7 : memref<20000xf32, #tpu.memory_space<vmem>>) dst(%dma_wait3A_94 : memref<20000xf32, #tpu.memory_space<vmem_shared>>)
        tpu.yield
      }) : () -> ()
      %mul3A_80 = arith.constant 100000 : i32
      %mul3A_81 = arith.muli %arg1, %mul3A_80 : i32
      %add3A_82 = arith.constant 40000 : i32
      %add3A_83 = arith.addi %mul3A_81, %add3A_82 : i32
      "tpu.region"() ({
        %run_scoped3A_92 = tpu.sem_alloc : memref<!tpu.dma_semaphore, #tpu.memory_space<semaphore_mem>>
        %dma_start3A = tpu.memref_slice %arg8[%add3A_83] : memref<1000000xf32, #tpu.memory_space<vmem_shared>> -> memref<20000xf32, #tpu.memory_space<vmem_shared>>
        %dma_start3A_93 = tpu.memref_slice %arg8[%add3A_83] : memref<1000000xf32, #tpu.memory_space<vmem_shared>> -> memref<20000xf32, #tpu.memory_space<vmem_shared>>
        tpu.enqueue_dma source(%arg7 : memref<20000xf32, #tpu.memory_space<vmem>>) target(%dma_start3A_93 : memref<20000xf32, #tpu.memory_space<vmem_shared>>) target_semaphore(%run_scoped3A_92 : memref<!tpu.dma_semaphore, #tpu.memory_space<semaphore_mem>>)
        %dma_wait3A = tpu.memref_slice %arg8[%add3A_83] : memref<1000000xf32, #tpu.memory_space<vmem_shared>> -> memref<20000xf32, #tpu.memory_space<vmem_shared>>
        %dma_wait3A_94 = tpu.memref_slice %arg8[%add3A_83] : memref<1000000xf32, #tpu.memory_space<vmem_shared>> -> memref<20000xf32, #tpu.memory_space<vmem_shared>>
        tpu.wait_dma2 semaphore(%run_scoped3A_92 : memref<!tpu.dma_semaphore, #tpu.memory_space<semaphore_mem>>) src(%arg7 : memref<20000xf32, #tpu.memory_space<vmem>>) dst(%dma_wait3A_94 : memref<20000xf32, #tpu.memory_space<vmem_shared>>)
        tpu.yield
      }) : () -> ()
      %mul3A_84 = arith.constant 100000 : i32
      %mul3A_85 = arith.muli %arg1, %mul3A_84 : i32
      %add3A_86 = arith.constant 60000 : i32
      %add3A_87 = arith.addi %mul3A_85, %add3A_86 : i32
      "tpu.region"() ({
        %run_scoped3A_92 = tpu.sem_alloc : memref<!tpu.dma_semaphore, #tpu.memory_space<semaphore_mem>>
        %dma_start3A = tpu.memref_slice %arg8[%add3A_87] : memref<1000000xf32, #tpu.memory_space<vmem_shared>> -> memref<20000xf32, #tpu.memory_space<vmem_shared>>
        %dma_start3A_93 = tpu.memref_slice %arg8[%add3A_87] : memref<1000000xf32, #tpu.memory_space<vmem_shared>> -> memref<20000xf32, #tpu.memory_space<vmem_shared>>
        tpu.enqueue_dma source(%arg7 : memref<20000xf32, #tpu.memory_space<vmem>>) target(%dma_start3A_93 : memref<20000xf32, #tpu.memory_space<vmem_shared>>) target_semaphore(%run_scoped3A_92 : memref<!tpu.dma_semaphore, #tpu.memory_space<semaphore_mem>>)
        %dma_wait3A = tpu.memref_slice %arg8[%add3A_87] : memref<1000000xf32, #tpu.memory_space<vmem_shared>> -> memref<20000xf32, #tpu.memory_space<vmem_shared>>
        %dma_wait3A_94 = tpu.memref_slice %arg8[%add3A_87] : memref<1000000xf32, #tpu.memory_space<vmem_shared>> -> memref<20000xf32, #tpu.memory_space<vmem_shared>>
        tpu.wait_dma2 semaphore(%run_scoped3A_92 : memref<!tpu.dma_semaphore, #tpu.memory_space<semaphore_mem>>) src(%arg7 : memref<20000xf32, #tpu.memory_space<vmem>>) dst(%dma_wait3A_94 : memref<20000xf32, #tpu.memory_space<vmem_shared>>)
        tpu.yield
      }) : () -> ()
      %mul3A_88 = arith.constant 100000 : i32
      %mul3A_89 = arith.muli %arg1, %mul3A_88 : i32
      %add3A_90 = arith.constant 80000 : i32
      %add3A_91 = arith.addi %mul3A_89, %add3A_90 : i32
      "tpu.region"() ({
        %run_scoped3A_92 = tpu.sem_alloc : memref<!tpu.dma_semaphore, #tpu.memory_space<semaphore_mem>>
        %dma_start3A = tpu.memref_slice %arg8[%add3A_91] : memref<1000000xf32, #tpu.memory_space<vmem_shared>> -> memref<20000xf32, #tpu.memory_space<vmem_shared>>
        %dma_start3A_93 = tpu.memref_slice %arg8[%add3A_91] : memref<1000000xf32, #tpu.memory_space<vmem_shared>> -> memref<20000xf32, #tpu.memory_space<vmem_shared>>
        tpu.enqueue_dma source(%arg7 : memref<20000xf32, #tpu.memory_space<vmem>>) target(%dma_start3A_93 : memref<20000xf32, #tpu.memory_space<vmem_shared>>) target_semaphore(%run_scoped3A_92 : memref<!tpu.dma_semaphore, #tpu.memory_space<semaphore_mem>>)
        %dma_wait3A = tpu.memref_slice %arg8[%add3A_91] : memref<1000000xf32, #tpu.memory_space<vmem_shared>> -> memref<20000xf32, #tpu.memory_space<vmem_shared>>
        %dma_wait3A_94 = tpu.memref_slice %arg8[%add3A_91] : memref<1000000xf32, #tpu.memory_space<vmem_shared>> -> memref<20000xf32, #tpu.memory_space<vmem_shared>>
        tpu.wait_dma2 semaphore(%run_scoped3A_92 : memref<!tpu.dma_semaphore, #tpu.memory_space<semaphore_mem>>) src(%arg7 : memref<20000xf32, #tpu.memory_space<vmem>>) dst(%dma_wait3A_94 : memref<20000xf32, #tpu.memory_space<vmem_shared>>)
        tpu.yield
      }) : () -> ()
    } else {
    }
    %mul3A = arith.constant 16 : i32
    %mul3A_2 = arith.muli %arg0, %mul3A : i32
    %add3A = arith.addi %mul3A_2, %arg1 : i32
    %mul3A_3 = arith.constant 512 : i32
    %mul3A_4 = arith.muli %add3A, %mul3A_3 : i32
    %add3A_5 = arith.constant 0 : i32
    %add3A_6 = arith.addi %mul3A_4, %add3A_5 : i32
    %run_scoped3A = arith.constant 0 : i32
    "tpu.region"() ({
      %run_scoped3A_72 = tpu.sem_alloc : memref<!tpu.dma_semaphore, #tpu.memory_space<semaphore_mem>>
      %dma_start3A = arith.constant 0 : i32
      %dma_start3A_73 = tpu.memref_slice %arg5[%run_scoped3A, %dma_start3A] : memref<4x128xi32, #tpu.memory_space<vmem>> -> memref<1x128xi32, #tpu.memory_space<vmem>>
      %dma_start3A_74 = tpu.memref_squeeze %dma_start3A_73 : memref<1x128xi32, #tpu.memory_space<vmem>> -> memref<128xi32, #tpu.memory_space<vmem>>
      %dma_start3A_75 = tpu.memref_slice %arg2[%add3A_6] : memref<16384xi32, #tpu.memory_space<hbm>> -> memref<128xi32, #tpu.memory_space<hbm>>
      %dma_start3A_76 = arith.constant 0 : i32
      %dma_start3A_77 = tpu.memref_slice %arg5[%run_scoped3A, %dma_start3A_76] : memref<4x128xi32, #tpu.memory_space<vmem>> -> memref<1x128xi32, #tpu.memory_space<vmem>>
      %dma_start3A_78 = tpu.memref_squeeze %dma_start3A_77 : memref<1x128xi32, #tpu.memory_space<vmem>> -> memref<128xi32, #tpu.memory_space<vmem>>
      %dma_start3A_79 = tpu.memref_slice %arg2[%add3A_6] : memref<16384xi32, #tpu.memory_space<hbm>> -> memref<128xi32, #tpu.memory_space<hbm>>
      tpu.enqueue_dma source(%dma_start3A_79 : memref<128xi32, #tpu.memory_space<hbm>>) target(%dma_start3A_78 : memref<128xi32, #tpu.memory_space<vmem>>) target_semaphore(%run_scoped3A_72 : memref<!tpu.dma_semaphore, #tpu.memory_space<semaphore_mem>>)
      %dma_wait3A = arith.constant 0 : i32
      %dma_wait3A_80 = tpu.memref_slice %arg5[%run_scoped3A, %dma_wait3A] : memref<4x128xi32, #tpu.memory_space<vmem>> -> memref<1x128xi32, #tpu.memory_space<vmem>>
      %dma_wait3A_81 = tpu.memref_squeeze %dma_wait3A_80 : memref<1x128xi32, #tpu.memory_space<vmem>> -> memref<128xi32, #tpu.memory_space<vmem>>
      %dma_wait3A_82 = tpu.memref_slice %arg2[%add3A_6] : memref<16384xi32, #tpu.memory_space<hbm>> -> memref<128xi32, #tpu.memory_space<hbm>>
      %dma_wait3A_83 = arith.constant 0 : i32
      %dma_wait3A_84 = tpu.memref_slice %arg5[%run_scoped3A, %dma_wait3A_83] : memref<4x128xi32, #tpu.memory_space<vmem>> -> memref<1x128xi32, #tpu.memory_space<vmem>>
      %dma_wait3A_85 = tpu.memref_squeeze %dma_wait3A_84 : memref<1x128xi32, #tpu.memory_space<vmem>> -> memref<128xi32, #tpu.memory_space<vmem>>
      %dma_wait3A_86 = tpu.memref_slice %arg2[%add3A_6] : memref<16384xi32, #tpu.memory_space<hbm>> -> memref<128xi32, #tpu.memory_space<hbm>>
      tpu.wait_dma2 semaphore(%run_scoped3A_72 : memref<!tpu.dma_semaphore, #tpu.memory_space<semaphore_mem>>) src(%dma_wait3A_86 : memref<128xi32, #tpu.memory_space<hbm>>) dst(%dma_wait3A_85 : memref<128xi32, #tpu.memory_space<vmem>>)
      tpu.yield
    }) : () -> ()
    %add3A_7 = arith.constant 128 : i32
    %add3A_8 = arith.addi %mul3A_4, %add3A_7 : i32
    %run_scoped3A_9 = arith.constant 1 : i32
    "tpu.region"() ({
      %run_scoped3A_72 = tpu.sem_alloc : memref<!tpu.dma_semaphore, #tpu.memory_space<semaphore_mem>>
      %dma_start3A = arith.constant 0 : i32
      %dma_start3A_73 = tpu.memref_slice %arg5[%run_scoped3A_9, %dma_start3A] : memref<4x128xi32, #tpu.memory_space<vmem>> -> memref<1x128xi32, #tpu.memory_space<vmem>>
      %dma_start3A_74 = tpu.memref_squeeze %dma_start3A_73 : memref<1x128xi32, #tpu.memory_space<vmem>> -> memref<128xi32, #tpu.memory_space<vmem>>
      %dma_start3A_75 = tpu.memref_slice %arg2[%add3A_8] : memref<16384xi32, #tpu.memory_space<hbm>> -> memref<128xi32, #tpu.memory_space<hbm>>
      %dma_start3A_76 = arith.constant 0 : i32
      %dma_start3A_77 = tpu.memref_slice %arg5[%run_scoped3A_9, %dma_start3A_76] : memref<4x128xi32, #tpu.memory_space<vmem>> -> memref<1x128xi32, #tpu.memory_space<vmem>>
      %dma_start3A_78 = tpu.memref_squeeze %dma_start3A_77 : memref<1x128xi32, #tpu.memory_space<vmem>> -> memref<128xi32, #tpu.memory_space<vmem>>
      %dma_start3A_79 = tpu.memref_slice %arg2[%add3A_8] : memref<16384xi32, #tpu.memory_space<hbm>> -> memref<128xi32, #tpu.memory_space<hbm>>
      tpu.enqueue_dma source(%dma_start3A_79 : memref<128xi32, #tpu.memory_space<hbm>>) target(%dma_start3A_78 : memref<128xi32, #tpu.memory_space<vmem>>) target_semaphore(%run_scoped3A_72 : memref<!tpu.dma_semaphore, #tpu.memory_space<semaphore_mem>>)
      %dma_wait3A = arith.constant 0 : i32
      %dma_wait3A_80 = tpu.memref_slice %arg5[%run_scoped3A_9, %dma_wait3A] : memref<4x128xi32, #tpu.memory_space<vmem>> -> memref<1x128xi32, #tpu.memory_space<vmem>>
      %dma_wait3A_81 = tpu.memref_squeeze %dma_wait3A_80 : memref<1x128xi32, #tpu.memory_space<vmem>> -> memref<128xi32, #tpu.memory_space<vmem>>
      %dma_wait3A_82 = tpu.memref_slice %arg2[%add3A_8] : memref<16384xi32, #tpu.memory_space<hbm>> -> memref<128xi32, #tpu.memory_space<hbm>>
      %dma_wait3A_83 = arith.constant 0 : i32
      %dma_wait3A_84 = tpu.memref_slice %arg5[%run_scoped3A_9, %dma_wait3A_83] : memref<4x128xi32, #tpu.memory_space<vmem>> -> memref<1x128xi32, #tpu.memory_space<vmem>>
      %dma_wait3A_85 = tpu.memref_squeeze %dma_wait3A_84 : memref<1x128xi32, #tpu.memory_space<vmem>> -> memref<128xi32, #tpu.memory_space<vmem>>
      %dma_wait3A_86 = tpu.memref_slice %arg2[%add3A_8] : memref<16384xi32, #tpu.memory_space<hbm>> -> memref<128xi32, #tpu.memory_space<hbm>>
      tpu.wait_dma2 semaphore(%run_scoped3A_72 : memref<!tpu.dma_semaphore, #tpu.memory_space<semaphore_mem>>) src(%dma_wait3A_86 : memref<128xi32, #tpu.memory_space<hbm>>) dst(%dma_wait3A_85 : memref<128xi32, #tpu.memory_space<vmem>>)
      tpu.yield
    }) : () -> ()
    %add3A_10 = arith.constant 256 : i32
    %add3A_11 = arith.addi %mul3A_4, %add3A_10 : i32
    %run_scoped3A_12 = arith.constant 2 : i32
    "tpu.region"() ({
      %run_scoped3A_72 = tpu.sem_alloc : memref<!tpu.dma_semaphore, #tpu.memory_space<semaphore_mem>>
      %dma_start3A = arith.constant 0 : i32
      %dma_start3A_73 = tpu.memref_slice %arg5[%run_scoped3A_12, %dma_start3A] : memref<4x128xi32, #tpu.memory_space<vmem>> -> memref<1x128xi32, #tpu.memory_space<vmem>>
      %dma_start3A_74 = tpu.memref_squeeze %dma_start3A_73 : memref<1x128xi32, #tpu.memory_space<vmem>> -> memref<128xi32, #tpu.memory_space<vmem>>
      %dma_start3A_75 = tpu.memref_slice %arg2[%add3A_11] : memref<16384xi32, #tpu.memory_space<hbm>> -> memref<128xi32, #tpu.memory_space<hbm>>
      %dma_start3A_76 = arith.constant 0 : i32
      %dma_start3A_77 = tpu.memref_slice %arg5[%run_scoped3A_12, %dma_start3A_76] : memref<4x128xi32, #tpu.memory_space<vmem>> -> memref<1x128xi32, #tpu.memory_space<vmem>>
      %dma_start3A_78 = tpu.memref_squeeze %dma_start3A_77 : memref<1x128xi32, #tpu.memory_space<vmem>> -> memref<128xi32, #tpu.memory_space<vmem>>
      %dma_start3A_79 = tpu.memref_slice %arg2[%add3A_11] : memref<16384xi32, #tpu.memory_space<hbm>> -> memref<128xi32, #tpu.memory_space<hbm>>
      tpu.enqueue_dma source(%dma_start3A_79 : memref<128xi32, #tpu.memory_space<hbm>>) target(%dma_start3A_78 : memref<128xi32, #tpu.memory_space<vmem>>) target_semaphore(%run_scoped3A_72 : memref<!tpu.dma_semaphore, #tpu.memory_space<semaphore_mem>>)
      %dma_wait3A = arith.constant 0 : i32
      %dma_wait3A_80 = tpu.memref_slice %arg5[%run_scoped3A_12, %dma_wait3A] : memref<4x128xi32, #tpu.memory_space<vmem>> -> memref<1x128xi32, #tpu.memory_space<vmem>>
      %dma_wait3A_81 = tpu.memref_squeeze %dma_wait3A_80 : memref<1x128xi32, #tpu.memory_space<vmem>> -> memref<128xi32, #tpu.memory_space<vmem>>
      %dma_wait3A_82 = tpu.memref_slice %arg2[%add3A_11] : memref<16384xi32, #tpu.memory_space<hbm>> -> memref<128xi32, #tpu.memory_space<hbm>>
      %dma_wait3A_83 = arith.constant 0 : i32
      %dma_wait3A_84 = tpu.memref_slice %arg5[%run_scoped3A_12, %dma_wait3A_83] : memref<4x128xi32, #tpu.memory_space<vmem>> -> memref<1x128xi32, #tpu.memory_space<vmem>>
      %dma_wait3A_85 = tpu.memref_squeeze %dma_wait3A_84 : memref<1x128xi32, #tpu.memory_space<vmem>> -> memref<128xi32, #tpu.memory_space<vmem>>
      %dma_wait3A_86 = tpu.memref_slice %arg2[%add3A_11] : memref<16384xi32, #tpu.memory_space<hbm>> -> memref<128xi32, #tpu.memory_space<hbm>>
      tpu.wait_dma2 semaphore(%run_scoped3A_72 : memref<!tpu.dma_semaphore, #tpu.memory_space<semaphore_mem>>) src(%dma_wait3A_86 : memref<128xi32, #tpu.memory_space<hbm>>) dst(%dma_wait3A_85 : memref<128xi32, #tpu.memory_space<vmem>>)
      tpu.yield
    }) : () -> ()
    %add3A_13 = arith.constant 384 : i32
    %add3A_14 = arith.addi %mul3A_4, %add3A_13 : i32
    %run_scoped3A_15 = arith.constant 3 : i32
    "tpu.region"() ({
      %run_scoped3A_72 = tpu.sem_alloc : memref<!tpu.dma_semaphore, #tpu.memory_space<semaphore_mem>>
      %dma_start3A = arith.constant 0 : i32
      %dma_start3A_73 = tpu.memref_slice %arg5[%run_scoped3A_15, %dma_start3A] : memref<4x128xi32, #tpu.memory_space<vmem>> -> memref<1x128xi32, #tpu.memory_space<vmem>>
      %dma_start3A_74 = tpu.memref_squeeze %dma_start3A_73 : memref<1x128xi32, #tpu.memory_space<vmem>> -> memref<128xi32, #tpu.memory_space<vmem>>
      %dma_start3A_75 = tpu.memref_slice %arg2[%add3A_14] : memref<16384xi32, #tpu.memory_space<hbm>> -> memref<128xi32, #tpu.memory_space<hbm>>
      %dma_start3A_76 = arith.constant 0 : i32
      %dma_start3A_77 = tpu.memref_slice %arg5[%run_scoped3A_15, %dma_start3A_76] : memref<4x128xi32, #tpu.memory_space<vmem>> -> memref<1x128xi32, #tpu.memory_space<vmem>>
      %dma_start3A_78 = tpu.memref_squeeze %dma_start3A_77 : memref<1x128xi32, #tpu.memory_space<vmem>> -> memref<128xi32, #tpu.memory_space<vmem>>
      %dma_start3A_79 = tpu.memref_slice %arg2[%add3A_14] : memref<16384xi32, #tpu.memory_space<hbm>> -> memref<128xi32, #tpu.memory_space<hbm>>
      tpu.enqueue_dma source(%dma_start3A_79 : memref<128xi32, #tpu.memory_space<hbm>>) target(%dma_start3A_78 : memref<128xi32, #tpu.memory_space<vmem>>) target_semaphore(%run_scoped3A_72 : memref<!tpu.dma_semaphore, #tpu.memory_space<semaphore_mem>>)
      %dma_wait3A = arith.constant 0 : i32
      %dma_wait3A_80 = tpu.memref_slice %arg5[%run_scoped3A_15, %dma_wait3A] : memref<4x128xi32, #tpu.memory_space<vmem>> -> memref<1x128xi32, #tpu.memory_space<vmem>>
      %dma_wait3A_81 = tpu.memref_squeeze %dma_wait3A_80 : memref<1x128xi32, #tpu.memory_space<vmem>> -> memref<128xi32, #tpu.memory_space<vmem>>
      %dma_wait3A_82 = tpu.memref_slice %arg2[%add3A_14] : memref<16384xi32, #tpu.memory_space<hbm>> -> memref<128xi32, #tpu.memory_space<hbm>>
      %dma_wait3A_83 = arith.constant 0 : i32
      %dma_wait3A_84 = tpu.memref_slice %arg5[%run_scoped3A_15, %dma_wait3A_83] : memref<4x128xi32, #tpu.memory_space<vmem>> -> memref<1x128xi32, #tpu.memory_space<vmem>>
      %dma_wait3A_85 = tpu.memref_squeeze %dma_wait3A_84 : memref<1x128xi32, #tpu.memory_space<vmem>> -> memref<128xi32, #tpu.memory_space<vmem>>
      %dma_wait3A_86 = tpu.memref_slice %arg2[%add3A_14] : memref<16384xi32, #tpu.memory_space<hbm>> -> memref<128xi32, #tpu.memory_space<hbm>>
      tpu.wait_dma2 semaphore(%run_scoped3A_72 : memref<!tpu.dma_semaphore, #tpu.memory_space<semaphore_mem>>) src(%dma_wait3A_86 : memref<128xi32, #tpu.memory_space<hbm>>) dst(%dma_wait3A_85 : memref<128xi32, #tpu.memory_space<vmem>>)
      tpu.yield
    }) : () -> ()
    %broadcast_in_dim3A = arith.constant 1.000000e+00 : f32
    %broadcast_in_dim3A_16 = vector.broadcast %broadcast_in_dim3A : f32 to vector<16xf32>
    %swap3A = arith.constant 0 : index
    %swap3A_17 = tpu.vector_load %arg6[%swap3A] {strides = array<i32>} : memref<128xf32, #tpu.memory_space<vmem>>, vector<16xf32>,
    %swap3A_18 = vector.shape_cast %swap3A_17 : vector<16xf32> to vector<16xf32>
    %swap3A_19 = vector.shape_cast %broadcast_in_dim3A_16 : vector<16xf32> to vector<16xf32>
    tpu.vector_store %arg6[%swap3A], %swap3A_19 {strides = array<i32>} : memref<128xf32, #tpu.memory_space<vmem>>, vector<16xf32>,
    %broadcast_in_dim3A_20 = arith.constant 1.000000e+00 : f32
    %broadcast_in_dim3A_21 = vector.broadcast %broadcast_in_dim3A_20 : f32 to vector<16xf32>
    %swap3A_22 = arith.constant 16 : index
    %swap3A_23 = tpu.vector_load %arg6[%swap3A_22] {strides = array<i32>} : memref<128xf32, #tpu.memory_space<vmem>>, vector<16xf32>,
    %swap3A_24 = vector.shape_cast %swap3A_23 : vector<16xf32> to vector<16xf32>
    %swap3A_25 = vector.shape_cast %broadcast_in_dim3A_21 : vector<16xf32> to vector<16xf32>
    tpu.vector_store %arg6[%swap3A_22], %swap3A_25 {strides = array<i32>} : memref<128xf32, #tpu.memory_space<vmem>>, vector<16xf32>,
    %broadcast_in_dim3A_26 = arith.constant 1.000000e+00 : f32
    %broadcast_in_dim3A_27 = vector.broadcast %broadcast_in_dim3A_26 : f32 to vector<16xf32>
    %swap3A_28 = arith.constant 32 : index
    %swap3A_29 = tpu.vector_load %arg6[%swap3A_28] {strides = array<i32>} : memref<128xf32, #tpu.memory_space<vmem>>, vector<16xf32>,
    %swap3A_30 = vector.shape_cast %swap3A_29 : vector<16xf32> to vector<16xf32>
    %swap3A_31 = vector.shape_cast %broadcast_in_dim3A_27 : vector<16xf32> to vector<16xf32>
    tpu.vector_store %arg6[%swap3A_28], %swap3A_31 {strides = array<i32>} : memref<128xf32, #tpu.memory_space<vmem>>, vector<16xf32>,
    %broadcast_in_dim3A_32 = arith.constant 1.000000e+00 : f32
    %broadcast_in_dim3A_33 = vector.broadcast %broadcast_in_dim3A_32 : f32 to vector<16xf32>
    %swap3A_34 = arith.constant 48 : index
    %swap3A_35 = tpu.vector_load %arg6[%swap3A_34] {strides = array<i32>} : memref<128xf32, #tpu.memory_space<vmem>>, vector<16xf32>,
    %swap3A_36 = vector.shape_cast %swap3A_35 : vector<16xf32> to vector<16xf32>
    %swap3A_37 = vector.shape_cast %broadcast_in_dim3A_33 : vector<16xf32> to vector<16xf32>
    tpu.vector_store %arg6[%swap3A_34], %swap3A_37 {strides = array<i32>} : memref<128xf32, #tpu.memory_space<vmem>>, vector<16xf32>,
    %broadcast_in_dim3A_38 = arith.constant 1.000000e+00 : f32
    %broadcast_in_dim3A_39 = vector.broadcast %broadcast_in_dim3A_38 : f32 to vector<16xf32>
    %swap3A_40 = arith.constant 64 : index
    %swap3A_41 = tpu.vector_load %arg6[%swap3A_40] {strides = array<i32>} : memref<128xf32, #tpu.memory_space<vmem>>, vector<16xf32>,
    %swap3A_42 = vector.shape_cast %swap3A_41 : vector<16xf32> to vector<16xf32>
    %swap3A_43 = vector.shape_cast %broadcast_in_dim3A_39 : vector<16xf32> to vector<16xf32>
    tpu.vector_store %arg6[%swap3A_40], %swap3A_43 {strides = array<i32>} : memref<128xf32, #tpu.memory_space<vmem>>, vector<16xf32>,
    %broadcast_in_dim3A_44 = arith.constant 1.000000e+00 : f32
    %broadcast_in_dim3A_45 = vector.broadcast %broadcast_in_dim3A_44 : f32 to vector<16xf32>
    %swap3A_46 = arith.constant 80 : index
    %swap3A_47 = tpu.vector_load %arg6[%swap3A_46] {strides = array<i32>} : memref<128xf32, #tpu.memory_space<vmem>>, vector<16xf32>,
    %swap3A_48 = vector.shape_cast %swap3A_47 : vector<16xf32> to vector<16xf32>
    %swap3A_49 = vector.shape_cast %broadcast_in_dim3A_45 : vector<16xf32> to vector<16xf32>
    tpu.vector_store %arg6[%swap3A_46], %swap3A_49 {strides = array<i32>} : memref<128xf32, #tpu.memory_space<vmem>>, vector<16xf32>,
    %broadcast_in_dim3A_50 = arith.constant 1.000000e+00 : f32
    %broadcast_in_dim3A_51 = vector.broadcast %broadcast_in_dim3A_50 : f32 to vector<16xf32>
    %swap3A_52 = arith.constant 96 : index
    %swap3A_53 = tpu.vector_load %arg6[%swap3A_52] {strides = array<i32>} : memref<128xf32, #tpu.memory_space<vmem>>, vector<16xf32>,
    %swap3A_54 = vector.shape_cast %swap3A_53 : vector<16xf32> to vector<16xf32>
    %swap3A_55 = vector.shape_cast %broadcast_in_dim3A_51 : vector<16xf32> to vector<16xf32>
    tpu.vector_store %arg6[%swap3A_52], %swap3A_55 {strides = array<i32>} : memref<128xf32, #tpu.memory_space<vmem>>, vector<16xf32>,
    %broadcast_in_dim3A_56 = arith.constant 1.000000e+00 : f32
    %broadcast_in_dim3A_57 = vector.broadcast %broadcast_in_dim3A_56 : f32 to vector<16xf32>
    %swap3A_58 = arith.constant 112 : index
    %swap3A_59 = tpu.vector_load %arg6[%swap3A_58] {strides = array<i32>} : memref<128xf32, #tpu.memory_space<vmem>>, vector<16xf32>,
    %swap3A_60 = vector.shape_cast %swap3A_59 : vector<16xf32> to vector<16xf32>
    %swap3A_61 = vector.shape_cast %broadcast_in_dim3A_57 : vector<16xf32> to vector<16xf32>
    tpu.vector_store %arg6[%swap3A_58], %swap3A_61 {strides = array<i32>} : memref<128xf32, #tpu.memory_space<vmem>>, vector<16xf32>,
    %barrier3A = arith.constant 0 : index
    tpu.barrier barrier_id(%barrier3A)
    %run_scoped3A_62 = arith.constant 0 : i32
    "tpu.region"() ({
      %run_scoped3A_72 = tpu.sem_alloc : memref<!tpu.dma_semaphore, #tpu.memory_space<semaphore_mem>>
      %dma_start3A = arith.constant 0 : i32
      %dma_start3A_73 = tpu.memref_slice %arg5[%run_scoped3A_62, %dma_start3A] : memref<4x128xi32, #tpu.memory_space<vmem>> -> memref<1x128xi32, #tpu.memory_space<vmem>>
      %dma_start3A_74 = tpu.memref_squeeze %dma_start3A_73 : memref<1x128xi32, #tpu.memory_space<vmem>> -> memref<128xi32, #tpu.memory_space<vmem>>
      %dma_start3A_75 = arith.constant 0 : i32
      %dma_start3A_76 = tpu.memref_slice %arg8[%dma_start3A_75] : memref<1000000xf32, #tpu.memory_space<vmem_shared>> -> memref<1000000xf32, #tpu.memory_space<vmem_shared>>
      tpu.enqueue_indirect_dma source(%arg6 : memref<128xf32, #tpu.memory_space<vmem>>) target(%dma_start3A_76 : memref<1000000xf32, #tpu.memory_space<vmem_shared>>) offsets(%dma_start3A_74 : memref<128xi32, #tpu.memory_space<vmem>>) semaphore(%run_scoped3A_72 : memref<!tpu.dma_semaphore, #tpu.memory_space<semaphore_mem>>) {add = true}
      %dma_wait3A = arith.constant 0 : i32
      %dma_wait3A_77 = tpu.memref_slice %arg5[%run_scoped3A_62, %dma_wait3A] : memref<4x128xi32, #tpu.memory_space<vmem>> -> memref<1x128xi32, #tpu.memory_space<vmem>>
      %dma_wait3A_78 = tpu.memref_squeeze %dma_wait3A_77 : memref<1x128xi32, #tpu.memory_space<vmem>> -> memref<128xi32, #tpu.memory_space<vmem>>
      %dma_wait3A_79 = arith.constant 0 : i32
      %dma_wait3A_80 = tpu.memref_slice %arg8[%dma_wait3A_79] : memref<1000000xf32, #tpu.memory_space<vmem_shared>> -> memref<1000000xf32, #tpu.memory_space<vmem_shared>>
      tpu.wait_indirect_dma semaphore(%run_scoped3A_72 : memref<!tpu.dma_semaphore, #tpu.memory_space<semaphore_mem>>) src(%arg6 : memref<128xf32, #tpu.memory_space<vmem>>) dst(%dma_wait3A_80 : memref<1000000xf32, #tpu.memory_space<vmem_shared>>)
      tpu.yield
    }) : () -> ()
    %run_scoped3A_63 = arith.constant 1 : i32
    "tpu.region"() ({
      %run_scoped3A_72 = tpu.sem_alloc : memref<!tpu.dma_semaphore, #tpu.memory_space<semaphore_mem>>
      %dma_start3A = arith.constant 0 : i32
      %dma_start3A_73 = tpu.memref_slice %arg5[%run_scoped3A_63, %dma_start3A] : memref<4x128xi32, #tpu.memory_space<vmem>> -> memref<1x128xi32, #tpu.memory_space<vmem>>
      %dma_start3A_74 = tpu.memref_squeeze %dma_start3A_73 : memref<1x128xi32, #tpu.memory_space<vmem>> -> memref<128xi32, #tpu.memory_space<vmem>>
      %dma_start3A_75 = arith.constant 0 : i32
      %dma_start3A_76 = tpu.memref_slice %arg8[%dma_start3A_75] : memref<1000000xf32, #tpu.memory_space<vmem_shared>> -> memref<1000000xf32, #tpu.memory_space<vmem_shared>>
      tpu.enqueue_indirect_dma source(%arg6 : memref<128xf32, #tpu.memory_space<vmem>>) target(%dma_start3A_76 : memref<1000000xf32, #tpu.memory_space<vmem_shared>>) offsets(%dma_start3A_74 : memref<128xi32, #tpu.memory_space<vmem>>) semaphore(%run_scoped3A_72 : memref<!tpu.dma_semaphore, #tpu.memory_space<semaphore_mem>>) {add = true}
      %dma_wait3A = arith.constant 0 : i32
      %dma_wait3A_77 = tpu.memref_slice %arg5[%run_scoped3A_63, %dma_wait3A] : memref<4x128xi32, #tpu.memory_space<vmem>> -> memref<1x128xi32, #tpu.memory_space<vmem>>
      %dma_wait3A_78 = tpu.memref_squeeze %dma_wait3A_77 : memref<1x128xi32, #tpu.memory_space<vmem>> -> memref<128xi32, #tpu.memory_space<vmem>>
      %dma_wait3A_79 = arith.constant 0 : i32
      %dma_wait3A_80 = tpu.memref_slice %arg8[%dma_wait3A_79] : memref<1000000xf32, #tpu.memory_space<vmem_shared>> -> memref<1000000xf32, #tpu.memory_space<vmem_shared>>
      tpu.wait_indirect_dma semaphore(%run_scoped3A_72 : memref<!tpu.dma_semaphore, #tpu.memory_space<semaphore_mem>>) src(%arg6 : memref<128xf32, #tpu.memory_space<vmem>>) dst(%dma_wait3A_80 : memref<1000000xf32, #tpu.memory_space<vmem_shared>>)
      tpu.yield
    }) : () -> ()
    %run_scoped3A_64 = arith.constant 2 : i32
    "tpu.region"() ({
      %run_scoped3A_72 = tpu.sem_alloc : memref<!tpu.dma_semaphore, #tpu.memory_space<semaphore_mem>>
      %dma_start3A = arith.constant 0 : i32
      %dma_start3A_73 = tpu.memref_slice %arg5[%run_scoped3A_64, %dma_start3A] : memref<4x128xi32, #tpu.memory_space<vmem>> -> memref<1x128xi32, #tpu.memory_space<vmem>>
      %dma_start3A_74 = tpu.memref_squeeze %dma_start3A_73 : memref<1x128xi32, #tpu.memory_space<vmem>> -> memref<128xi32, #tpu.memory_space<vmem>>
      %dma_start3A_75 = arith.constant 0 : i32
      %dma_start3A_76 = tpu.memref_slice %arg8[%dma_start3A_75] : memref<1000000xf32, #tpu.memory_space<vmem_shared>> -> memref<1000000xf32, #tpu.memory_space<vmem_shared>>
      tpu.enqueue_indirect_dma source(%arg6 : memref<128xf32, #tpu.memory_space<vmem>>) target(%dma_start3A_76 : memref<1000000xf32, #tpu.memory_space<vmem_shared>>) offsets(%dma_start3A_74 : memref<128xi32, #tpu.memory_space<vmem>>) semaphore(%run_scoped3A_72 : memref<!tpu.dma_semaphore, #tpu.memory_space<semaphore_mem>>) {add = true}
      %dma_wait3A = arith.constant 0 : i32
      %dma_wait3A_77 = tpu.memref_slice %arg5[%run_scoped3A_64, %dma_wait3A] : memref<4x128xi32, #tpu.memory_space<vmem>> -> memref<1x128xi32, #tpu.memory_space<vmem>>
      %dma_wait3A_78 = tpu.memref_squeeze %dma_wait3A_77 : memref<1x128xi32, #tpu.memory_space<vmem>> -> memref<128xi32, #tpu.memory_space<vmem>>
      %dma_wait3A_79 = arith.constant 0 : i32
      %dma_wait3A_80 = tpu.memref_slice %arg8[%dma_wait3A_79] : memref<1000000xf32, #tpu.memory_space<vmem_shared>> -> memref<1000000xf32, #tpu.memory_space<vmem_shared>>
      tpu.wait_indirect_dma semaphore(%run_scoped3A_72 : memref<!tpu.dma_semaphore, #tpu.memory_space<semaphore_mem>>) src(%arg6 : memref<128xf32, #tpu.memory_space<vmem>>) dst(%dma_wait3A_80 : memref<1000000xf32, #tpu.memory_space<vmem_shared>>)
      tpu.yield
    }) : () -> ()
    %run_scoped3A_65 = arith.constant 3 : i32
    "tpu.region"() ({
      %run_scoped3A_72 = tpu.sem_alloc : memref<!tpu.dma_semaphore, #tpu.memory_space<semaphore_mem>>
      %dma_start3A = arith.constant 0 : i32
      %dma_start3A_73 = tpu.memref_slice %arg5[%run_scoped3A_65, %dma_start3A] : memref<4x128xi32, #tpu.memory_space<vmem>> -> memref<1x128xi32, #tpu.memory_space<vmem>>
      %dma_start3A_74 = tpu.memref_squeeze %dma_start3A_73 : memref<1x128xi32, #tpu.memory_space<vmem>> -> memref<128xi32, #tpu.memory_space<vmem>>
      %dma_start3A_75 = arith.constant 0 : i32
      %dma_start3A_76 = tpu.memref_slice %arg8[%dma_start3A_75] : memref<1000000xf32, #tpu.memory_space<vmem_shared>> -> memref<1000000xf32, #tpu.memory_space<vmem_shared>>
      tpu.enqueue_indirect_dma source(%arg6 : memref<128xf32, #tpu.memory_space<vmem>>) target(%dma_start3A_76 : memref<1000000xf32, #tpu.memory_space<vmem_shared>>) offsets(%dma_start3A_74 : memref<128xi32, #tpu.memory_space<vmem>>) semaphore(%run_scoped3A_72 : memref<!tpu.dma_semaphore, #tpu.memory_space<semaphore_mem>>) {add = true}
      %dma_wait3A = arith.constant 0 : i32
      %dma_wait3A_77 = tpu.memref_slice %arg5[%run_scoped3A_65, %dma_wait3A] : memref<4x128xi32, #tpu.memory_space<vmem>> -> memref<1x128xi32, #tpu.memory_space<vmem>>
      %dma_wait3A_78 = tpu.memref_squeeze %dma_wait3A_77 : memref<1x128xi32, #tpu.memory_space<vmem>> -> memref<128xi32, #tpu.memory_space<vmem>>
      %dma_wait3A_79 = arith.constant 0 : i32
      %dma_wait3A_80 = tpu.memref_slice %arg8[%dma_wait3A_79] : memref<1000000xf32, #tpu.memory_space<vmem_shared>> -> memref<1000000xf32, #tpu.memory_space<vmem_shared>>
      tpu.wait_indirect_dma semaphore(%run_scoped3A_72 : memref<!tpu.dma_semaphore, #tpu.memory_space<semaphore_mem>>) src(%arg6 : memref<128xf32, #tpu.memory_space<vmem>>) dst(%dma_wait3A_80 : memref<1000000xf32, #tpu.memory_space<vmem_shared>>)
      tpu.yield
    }) : () -> ()
    %barrier3A_66 = arith.constant 0 : index
    tpu.barrier barrier_id(%barrier3A_66)
    %lt3A_67 = arith.constant 10 : i32
    %lt3A_68 = arith.cmpi slt, %arg1, %lt3A_67 : i32
    %convert_element_type3A_69 = arith.extui %lt3A_68 : i1 to i32
    %cond3A_70 = arith.constant 0 : i32
    %cond3A_71 = arith.cmpi ne, %convert_element_type3A_69, %cond3A_70 : i32
    scf.if %cond3A_71 {
      %mul3A_72 = arith.constant 100000 : i32
      %mul3A_73 = arith.muli %arg1, %mul3A_72 : i32
      %add3A_74 = arith.constant 0 : i32
      %add3A_75 = arith.addi %mul3A_73, %add3A_74 : i32
      "tpu.region"() ({
        %run_scoped3A_107 = tpu.sem_alloc : memref<!tpu.dma_semaphore, #tpu.memory_space<semaphore_mem>>
        %dma_start3A = tpu.memref_slice %arg8[%add3A_75] : memref<1000000xf32, #tpu.memory_space<vmem_shared>> -> memref<20000xf32, #tpu.memory_space<vmem_shared>>
        %dma_start3A_108 = tpu.memref_slice %arg8[%add3A_75] : memref<1000000xf32, #tpu.memory_space<vmem_shared>> -> memref<20000xf32, #tpu.memory_space<vmem_shared>>
        tpu.enqueue_dma source(%dma_start3A_108 : memref<20000xf32, #tpu.memory_space<vmem_shared>>) target(%arg7 : memref<20000xf32, #tpu.memory_space<vmem>>) target_semaphore(%run_scoped3A_107 : memref<!tpu.dma_semaphore, #tpu.memory_space<semaphore_mem>>)
        %dma_wait3A = tpu.memref_slice %arg8[%add3A_75] : memref<1000000xf32, #tpu.memory_space<vmem_shared>> -> memref<20000xf32, #tpu.memory_space<vmem_shared>>
        %dma_wait3A_109 = tpu.memref_slice %arg8[%add3A_75] : memref<1000000xf32, #tpu.memory_space<vmem_shared>> -> memref<20000xf32, #tpu.memory_space<vmem_shared>>
        tpu.wait_dma2 semaphore(%run_scoped3A_107 : memref<!tpu.dma_semaphore, #tpu.memory_space<semaphore_mem>>) src(%dma_wait3A_109 : memref<20000xf32, #tpu.memory_space<vmem_shared>>) dst(%arg7 : memref<20000xf32, #tpu.memory_space<vmem>>)
        tpu.yield
      }) : () -> ()
      %mul3A_76 = arith.constant 1007616 : i32
      %mul3A_77 = arith.muli %arg0, %mul3A_76 : i32
      %add3A_78 = arith.addi %mul3A_77, %add3A_75 : i32
      "tpu.region"() ({
        %run_scoped3A_107 = tpu.sem_alloc : memref<!tpu.dma_semaphore, #tpu.memory_space<semaphore_mem>>
        %dma_start3A = tpu.memref_slice %arg4[%add3A_78] : memref<2015232xf32, #tpu.memory_space<hbm>> -> memref<20000xf32, #tpu.memory_space<hbm>>
        %dma_start3A_108 = tpu.memref_slice %arg4[%add3A_78] : memref<2015232xf32, #tpu.memory_space<hbm>> -> memref<20000xf32, #tpu.memory_space<hbm>>
        tpu.enqueue_dma source(%arg7 : memref<20000xf32, #tpu.memory_space<vmem>>) target(%dma_start3A_108 : memref<20000xf32, #tpu.memory_space<hbm>>) target_semaphore(%run_scoped3A_107 : memref<!tpu.dma_semaphore, #tpu.memory_space<semaphore_mem>>)
        %dma_wait3A = tpu.memref_slice %arg4[%add3A_78] : memref<2015232xf32, #tpu.memory_space<hbm>> -> memref<20000xf32, #tpu.memory_space<hbm>>
        %dma_wait3A_109 = tpu.memref_slice %arg4[%add3A_78] : memref<2015232xf32, #tpu.memory_space<hbm>> -> memref<20000xf32, #tpu.memory_space<hbm>>
        tpu.wait_dma2 semaphore(%run_scoped3A_107 : memref<!tpu.dma_semaphore, #tpu.memory_space<semaphore_mem>>) src(%arg7 : memref<20000xf32, #tpu.memory_space<vmem>>) dst(%dma_wait3A_109 : memref<20000xf32, #tpu.memory_space<hbm>>)
        tpu.yield
      }) : () -> ()
      %mul3A_79 = arith.constant 100000 : i32
      %mul3A_80 = arith.muli %arg1, %mul3A_79 : i32
      %add3A_81 = arith.constant 20000 : i32
      %add3A_82 = arith.addi %mul3A_80, %add3A_81 : i32
      "tpu.region"() ({
        %run_scoped3A_107 = tpu.sem_alloc : memref<!tpu.dma_semaphore, #tpu.memory_space<semaphore_mem>>
        %dma_start3A = tpu.memref_slice %arg8[%add3A_82] : memref<1000000xf32, #tpu.memory_space<vmem_shared>> -> memref<20000xf32, #tpu.memory_space<vmem_shared>>
        %dma_start3A_108 = tpu.memref_slice %arg8[%add3A_82] : memref<1000000xf32, #tpu.memory_space<vmem_shared>> -> memref<20000xf32, #tpu.memory_space<vmem_shared>>
        tpu.enqueue_dma source(%dma_start3A_108 : memref<20000xf32, #tpu.memory_space<vmem_shared>>) target(%arg7 : memref<20000xf32, #tpu.memory_space<vmem>>) target_semaphore(%run_scoped3A_107 : memref<!tpu.dma_semaphore, #tpu.memory_space<semaphore_mem>>)
        %dma_wait3A = tpu.memref_slice %arg8[%add3A_82] : memref<1000000xf32, #tpu.memory_space<vmem_shared>> -> memref<20000xf32, #tpu.memory_space<vmem_shared>>
        %dma_wait3A_109 = tpu.memref_slice %arg8[%add3A_82] : memref<1000000xf32, #tpu.memory_space<vmem_shared>> -> memref<20000xf32, #tpu.memory_space<vmem_shared>>
        tpu.wait_dma2 semaphore(%run_scoped3A_107 : memref<!tpu.dma_semaphore, #tpu.memory_space<semaphore_mem>>) src(%dma_wait3A_109 : memref<20000xf32, #tpu.memory_space<vmem_shared>>) dst(%arg7 : memref<20000xf32, #tpu.memory_space<vmem>>)
        tpu.yield
      }) : () -> ()
      %mul3A_83 = arith.constant 1007616 : i32
      %mul3A_84 = arith.muli %arg0, %mul3A_83 : i32
      %add3A_85 = arith.addi %mul3A_84, %add3A_82 : i32
      "tpu.region"() ({
        %run_scoped3A_107 = tpu.sem_alloc : memref<!tpu.dma_semaphore, #tpu.memory_space<semaphore_mem>>
        %dma_start3A = tpu.memref_slice %arg4[%add3A_85] : memref<2015232xf32, #tpu.memory_space<hbm>> -> memref<20000xf32, #tpu.memory_space<hbm>>
        %dma_start3A_108 = tpu.memref_slice %arg4[%add3A_85] : memref<2015232xf32, #tpu.memory_space<hbm>> -> memref<20000xf32, #tpu.memory_space<hbm>>
        tpu.enqueue_dma source(%arg7 : memref<20000xf32, #tpu.memory_space<vmem>>) target(%dma_start3A_108 : memref<20000xf32, #tpu.memory_space<hbm>>) target_semaphore(%run_scoped3A_107 : memref<!tpu.dma_semaphore, #tpu.memory_space<semaphore_mem>>)
        %dma_wait3A = tpu.memref_slice %arg4[%add3A_85] : memref<2015232xf32, #tpu.memory_space<hbm>> -> memref<20000xf32, #tpu.memory_space<hbm>>
        %dma_wait3A_109 = tpu.memref_slice %arg4[%add3A_85] : memref<2015232xf32, #tpu.memory_space<hbm>> -> memref<20000xf32, #tpu.memory_space<hbm>>
        tpu.wait_dma2 semaphore(%run_scoped3A_107 : memref<!tpu.dma_semaphore, #tpu.memory_space<semaphore_mem>>) src(%arg7 : memref<20000xf32, #tpu.memory_space<vmem>>) dst(%dma_wait3A_109 : memref<20000xf32, #tpu.memory_space<hbm>>)
        tpu.yield
      }) : () -> ()
      %mul3A_86 = arith.constant 100000 : i32
      %mul3A_87 = arith.muli %arg1, %mul3A_86 : i32
      %add3A_88 = arith.constant 40000 : i32
      %add3A_89 = arith.addi %mul3A_87, %add3A_88 : i32
      "tpu.region"() ({
        %run_scoped3A_107 = tpu.sem_alloc : memref<!tpu.dma_semaphore, #tpu.memory_space<semaphore_mem>>
        %dma_start3A = tpu.memref_slice %arg8[%add3A_89] : memref<1000000xf32, #tpu.memory_space<vmem_shared>> -> memref<20000xf32, #tpu.memory_space<vmem_shared>>
        %dma_start3A_108 = tpu.memref_slice %arg8[%add3A_89] : memref<1000000xf32, #tpu.memory_space<vmem_shared>> -> memref<20000xf32, #tpu.memory_space<vmem_shared>>
        tpu.enqueue_dma source(%dma_start3A_108 : memref<20000xf32, #tpu.memory_space<vmem_shared>>) target(%arg7 : memref<20000xf32, #tpu.memory_space<vmem>>) target_semaphore(%run_scoped3A_107 : memref<!tpu.dma_semaphore, #tpu.memory_space<semaphore_mem>>)
        %dma_wait3A = tpu.memref_slice %arg8[%add3A_89] : memref<1000000xf32, #tpu.memory_space<vmem_shared>> -> memref<20000xf32, #tpu.memory_space<vmem_shared>>
        %dma_wait3A_109 = tpu.memref_slice %arg8[%add3A_89] : memref<1000000xf32, #tpu.memory_space<vmem_shared>> -> memref<20000xf32, #tpu.memory_space<vmem_shared>>
        tpu.wait_dma2 semaphore(%run_scoped3A_107 : memref<!tpu.dma_semaphore, #tpu.memory_space<semaphore_mem>>) src(%dma_wait3A_109 : memref<20000xf32, #tpu.memory_space<vmem_shared>>) dst(%arg7 : memref<20000xf32, #tpu.memory_space<vmem>>)
        tpu.yield
      }) : () -> ()
      %mul3A_90 = arith.constant 1007616 : i32
      %mul3A_91 = arith.muli %arg0, %mul3A_90 : i32
      %add3A_92 = arith.addi %mul3A_91, %add3A_89 : i32
      "tpu.region"() ({
        %run_scoped3A_107 = tpu.sem_alloc : memref<!tpu.dma_semaphore, #tpu.memory_space<semaphore_mem>>
        %dma_start3A = tpu.memref_slice %arg4[%add3A_92] : memref<2015232xf32, #tpu.memory_space<hbm>> -> memref<20000xf32, #tpu.memory_space<hbm>>
        %dma_start3A_108 = tpu.memref_slice %arg4[%add3A_92] : memref<2015232xf32, #tpu.memory_space<hbm>> -> memref<20000xf32, #tpu.memory_space<hbm>>
        tpu.enqueue_dma source(%arg7 : memref<20000xf32, #tpu.memory_space<vmem>>) target(%dma_start3A_108 : memref<20000xf32, #tpu.memory_space<hbm>>) target_semaphore(%run_scoped3A_107 : memref<!tpu.dma_semaphore, #tpu.memory_space<semaphore_mem>>)
        %dma_wait3A = tpu.memref_slice %arg4[%add3A_92] : memref<2015232xf32, #tpu.memory_space<hbm>> -> memref<20000xf32, #tpu.memory_space<hbm>>
        %dma_wait3A_109 = tpu.memref_slice %arg4[%add3A_92] : memref<2015232xf32, #tpu.memory_space<hbm>> -> memref<20000xf32, #tpu.memory_space<hbm>>
        tpu.wait_dma2 semaphore(%run_scoped3A_107 : memref<!tpu.dma_semaphore, #tpu.memory_space<semaphore_mem>>) src(%arg7 : memref<20000xf32, #tpu.memory_space<vmem>>) dst(%dma_wait3A_109 : memref<20000xf32, #tpu.memory_space<hbm>>)
        tpu.yield
      }) : () -> ()
      %mul3A_93 = arith.constant 100000 : i32
      %mul3A_94 = arith.muli %arg1, %mul3A_93 : i32
      %add3A_95 = arith.constant 60000 : i32
      %add3A_96 = arith.addi %mul3A_94, %add3A_95 : i32
      "tpu.region"() ({
        %run_scoped3A_107 = tpu.sem_alloc : memref<!tpu.dma_semaphore, #tpu.memory_space<semaphore_mem>>
        %dma_start3A = tpu.memref_slice %arg8[%add3A_96] : memref<1000000xf32, #tpu.memory_space<vmem_shared>> -> memref<20000xf32, #tpu.memory_space<vmem_shared>>
        %dma_start3A_108 = tpu.memref_slice %arg8[%add3A_96] : memref<1000000xf32, #tpu.memory_space<vmem_shared>> -> memref<20000xf32, #tpu.memory_space<vmem_shared>>
        tpu.enqueue_dma source(%dma_start3A_108 : memref<20000xf32, #tpu.memory_space<vmem_shared>>) target(%arg7 : memref<20000xf32, #tpu.memory_space<vmem>>) target_semaphore(%run_scoped3A_107 : memref<!tpu.dma_semaphore, #tpu.memory_space<semaphore_mem>>)
        %dma_wait3A = tpu.memref_slice %arg8[%add3A_96] : memref<1000000xf32, #tpu.memory_space<vmem_shared>> -> memref<20000xf32, #tpu.memory_space<vmem_shared>>
        %dma_wait3A_109 = tpu.memref_slice %arg8[%add3A_96] : memref<1000000xf32, #tpu.memory_space<vmem_shared>> -> memref<20000xf32, #tpu.memory_space<vmem_shared>>
        tpu.wait_dma2 semaphore(%run_scoped3A_107 : memref<!tpu.dma_semaphore, #tpu.memory_space<semaphore_mem>>) src(%dma_wait3A_109 : memref<20000xf32, #tpu.memory_space<vmem_shared>>) dst(%arg7 : memref<20000xf32, #tpu.memory_space<vmem>>)
        tpu.yield
      }) : () -> ()
      %mul3A_97 = arith.constant 1007616 : i32
      %mul3A_98 = arith.muli %arg0, %mul3A_97 : i32
      %add3A_99 = arith.addi %mul3A_98, %add3A_96 : i32
      "tpu.region"() ({
        %run_scoped3A_107 = tpu.sem_alloc : memref<!tpu.dma_semaphore, #tpu.memory_space<semaphore_mem>>
        %dma_start3A = tpu.memref_slice %arg4[%add3A_99] : memref<2015232xf32, #tpu.memory_space<hbm>> -> memref<20000xf32, #tpu.memory_space<hbm>>
        %dma_start3A_108 = tpu.memref_slice %arg4[%add3A_99] : memref<2015232xf32, #tpu.memory_space<hbm>> -> memref<20000xf32, #tpu.memory_space<hbm>>
        tpu.enqueue_dma source(%arg7 : memref<20000xf32, #tpu.memory_space<vmem>>) target(%dma_start3A_108 : memref<20000xf32, #tpu.memory_space<hbm>>) target_semaphore(%run_scoped3A_107 : memref<!tpu.dma_semaphore, #tpu.memory_space<semaphore_mem>>)
        %dma_wait3A = tpu.memref_slice %arg4[%add3A_99] : memref<2015232xf32, #tpu.memory_space<hbm>> -> memref<20000xf32, #tpu.memory_space<hbm>>
        %dma_wait3A_109 = tpu.memref_slice %arg4[%add3A_99] : memref<2015232xf32, #tpu.memory_space<hbm>> -> memref<20000xf32, #tpu.memory_space<hbm>>
        tpu.wait_dma2 semaphore(%run_scoped3A_107 : memref<!tpu.dma_semaphore, #tpu.memory_space<semaphore_mem>>) src(%arg7 : memref<20000xf32, #tpu.memory_space<vmem>>) dst(%dma_wait3A_109 : memref<20000xf32, #tpu.memory_space<hbm>>)
        tpu.yield
      }) : () -> ()
      %mul3A_100 = arith.constant 100000 : i32
      %mul3A_101 = arith.muli %arg1, %mul3A_100 : i32
      %add3A_102 = arith.constant 80000 : i32
      %add3A_103 = arith.addi %mul3A_101, %add3A_102 : i32
      "tpu.region"() ({
        %run_scoped3A_107 = tpu.sem_alloc : memref<!tpu.dma_semaphore, #tpu.memory_space<semaphore_mem>>
        %dma_start3A = tpu.memref_slice %arg8[%add3A_103] : memref<1000000xf32, #tpu.memory_space<vmem_shared>> -> memref<20000xf32, #tpu.memory_space<vmem_shared>>
        %dma_start3A_108 = tpu.memref_slice %arg8[%add3A_103] : memref<1000000xf32, #tpu.memory_space<vmem_shared>> -> memref<20000xf32, #tpu.memory_space<vmem_shared>>
        tpu.enqueue_dma source(%dma_start3A_108 : memref<20000xf32, #tpu.memory_space<vmem_shared>>) target(%arg7 : memref<20000xf32, #tpu.memory_space<vmem>>) target_semaphore(%run_scoped3A_107 : memref<!tpu.dma_semaphore, #tpu.memory_space<semaphore_mem>>)
        %dma_wait3A = tpu.memref_slice %arg8[%add3A_103] : memref<1000000xf32, #tpu.memory_space<vmem_shared>> -> memref<20000xf32, #tpu.memory_space<vmem_shared>>
        %dma_wait3A_109 = tpu.memref_slice %arg8[%add3A_103] : memref<1000000xf32, #tpu.memory_space<vmem_shared>> -> memref<20000xf32, #tpu.memory_space<vmem_shared>>
        tpu.wait_dma2 semaphore(%run_scoped3A_107 : memref<!tpu.dma_semaphore, #tpu.memory_space<semaphore_mem>>) src(%dma_wait3A_109 : memref<20000xf32, #tpu.memory_space<vmem_shared>>) dst(%arg7 : memref<20000xf32, #tpu.memory_space<vmem>>)
        tpu.yield
      }) : () -> ()
      %mul3A_104 = arith.constant 1007616 : i32
      %mul3A_105 = arith.muli %arg0, %mul3A_104 : i32
      %add3A_106 = arith.addi %mul3A_105, %add3A_103 : i32
      "tpu.region"() ({
        %run_scoped3A_107 = tpu.sem_alloc : memref<!tpu.dma_semaphore, #tpu.memory_space<semaphore_mem>>
        %dma_start3A = tpu.memref_slice %arg4[%add3A_106] : memref<2015232xf32, #tpu.memory_space<hbm>> -> memref<20000xf32, #tpu.memory_space<hbm>>
        %dma_start3A_108 = tpu.memref_slice %arg4[%add3A_106] : memref<2015232xf32, #tpu.memory_space<hbm>> -> memref<20000xf32, #tpu.memory_space<hbm>>
        tpu.enqueue_dma source(%arg7 : memref<20000xf32, #tpu.memory_space<vmem>>) target(%dma_start3A_108 : memref<20000xf32, #tpu.memory_space<hbm>>) target_semaphore(%run_scoped3A_107 : memref<!tpu.dma_semaphore, #tpu.memory_space<semaphore_mem>>)
        %dma_wait3A = tpu.memref_slice %arg4[%add3A_106] : memref<2015232xf32, #tpu.memory_space<hbm>> -> memref<20000xf32, #tpu.memory_space<hbm>>
        %dma_wait3A_109 = tpu.memref_slice %arg4[%add3A_106] : memref<2015232xf32, #tpu.memory_space<hbm>> -> memref<20000xf32, #tpu.memory_space<hbm>>
        tpu.wait_dma2 semaphore(%run_scoped3A_107 : memref<!tpu.dma_semaphore, #tpu.memory_space<semaphore_mem>>) src(%arg7 : memref<20000xf32, #tpu.memory_space<vmem>>) dst(%dma_wait3A_109 : memref<20000xf32, #tpu.memory_space<hbm>>)
        tpu.yield
      }) : () -> ()
    } else {
    }
    return
  }
}

module attributes {stable_mosaic.version = 14 : i64} {
  func.func @_tc_matvec(%arg0: i32, %arg1: memref<32x8192xf32, #tpu.memory_space<vmem>>, %arg2: memref<8192xf32, #tpu.memory_space<vmem>>, %arg3: memref<8192xf32, #tpu.memory_space<vmem>>, %arg4: memref<32x1xf32, #tpu.memory_space<vmem>>, %arg5: memref<32x1xf32, #tpu.memory_space<vmem>>, %arg6: memref<32x128xf32, #tpu.memory_space<vmem>>) attributes {dimension_semantics = [#tpu.dimension_semantics<arbitrary>], iteration_bounds = array<i64: 123>, scalar_prefetch = 0 : i64, scratch_operands = 1 : i64, tpu.core_type = #tpu.core_type<tc>, window_params = [{transform_indices = @transform_0, window_bounds = array<i64: 32, 8192>}, {transform_indices = @transform_1, window_bounds = array<i64: 8192>}, {transform_indices = @transform_2, window_bounds = array<i64: 8192>}, {pipeline_mode = #tpu.pipeline_mode<synchronous>, transform_indices = @transform_3, window_bounds = array<i64: 32, 1>}, {pipeline_mode = #tpu.pipeline_mode<synchronous>, transform_indices = @transform_4, window_bounds = array<i64: 32, 1>}]} {
    %eq3A = arith.constant 0 : i32
    %eq3A_0 = arith.cmpi eq, %arg0, %eq3A : i32
    %convert_element_type3A = arith.extui %eq3A_0 : i1 to i32
    %cond3A = arith.constant 0 : i32
    %cond3A_1 = arith.cmpi ne, %convert_element_type3A, %cond3A : i32
    scf.if %cond3A_1 {
      %broadcast_in_dim3A_28 = arith.constant 0.000000e+00 : f32
      %broadcast_in_dim3A_29 = vector.broadcast %broadcast_in_dim3A_28 : f32 to vector<32x128xf32>
      %swap3A_30 = arith.constant 0 : index
      %swap3A_31 = arith.constant 0 : index
      %swap3A_32 = vector.load %arg6[%swap3A_30, %swap3A_31] : memref<32x128xf32, #tpu.memory_space<vmem>>, vector<32x128xf32>
      tpu.vector_store %arg6[%swap3A_30, %swap3A_31], %broadcast_in_dim3A_29 {strides = array<i32>} : memref<32x128xf32, #tpu.memory_space<vmem>>, vector<32x128xf32>,
    } else {
    }
    %get3A = arith.constant 0 : index
    %get3A_2 = vector.load %arg2[%get3A] : memref<8192xf32, #tpu.memory_space<vmem>>, vector<8192xf32>
    %get3A_3 = arith.constant 0 : index
    %get3A_4 = vector.load %arg3[%get3A_3] : memref<8192xf32, #tpu.memory_space<vmem>>, vector<8192xf32>
    %add3A = arith.addf %get3A_2, %get3A_4 : vector<8192xf32>
    %get3A_5 = arith.constant 0 : index
    %get3A_6 = arith.constant 0 : index
    %get3A_7 = vector.load %arg1[%get3A_5, %get3A_6] : memref<32x8192xf32, #tpu.memory_space<vmem>>, vector<32x8192xf32>
    %broadcast_in_dim3A = vector.shape_cast %add3A : vector<8192xf32> to vector<1x8192xf32>
    %mul3A = vector.broadcast %broadcast_in_dim3A : vector<1x8192xf32> to vector<32x8192xf32>
    %mul3A_8 = arith.mulf %get3A_7, %mul3A : vector<32x8192xf32>
    %mul3A_9 = arith.constant 8192 : i32
    %mul3A_10 = arith.muli %arg0, %mul3A_9 : i32
    %iota3A = tpu.iota {dimensions = array<i32: 1>} : vector<32x8192xi32>
    %add3A_11 = vector.broadcast %mul3A_10 : i32 to vector<32x8192xi32>
    %add3A_12 = arith.addi %add3A_11, %iota3A : vector<32x8192xi32>
    %lt3A = arith.constant 1000000 : i32
    %lt3A_13 = vector.broadcast %lt3A : i32 to vector<32x8192xi32>
    %lt3A_14 = arith.cmpi slt, %add3A_12, %lt3A_13 : vector<32x8192xi32>
    %jit3A = arith.constant 0.000000e+00 : f32
    %broadcast_in_dim3A_15 = vector.broadcast %jit3A : f32 to vector<32x8192xf32>
    %select_n3A = arith.select %lt3A_14, %mul3A_8, %broadcast_in_dim3A_15 : vector<32x8192xi1>, vector<32x8192xf32>
    %get3A_16 = arith.constant 0 : index
    %get3A_17 = arith.constant 0 : index
    %get3A_18 = vector.load %arg6[%get3A_16, %get3A_17] : memref<32x128xf32, #tpu.memory_space<vmem>>, vector<32x128xf32>
    %reshape3A = vector.shape_cast %select_n3A : vector<32x8192xf32> to vector<32x64x128xf32>
    %reduce_sum3A = arith.constant dense<0.000000e+00> : vector<32x128xf32>
    %reduce_sum3A_19 = vector.multi_reduction <add>, %reshape3A, %reduce_sum3A [1] : vector<32x64x128xf32> to vector<32x128xf32>
    %add3A_20 = arith.addf %get3A_18, %reduce_sum3A_19 : vector<32x128xf32>
    %swap3A = arith.constant 0 : index
    %swap3A_21 = arith.constant 0 : index
    %swap3A_22 = vector.load %arg6[%swap3A, %swap3A_21] : memref<32x128xf32, #tpu.memory_space<vmem>>, vector<32x128xf32>
    tpu.vector_store %arg6[%swap3A, %swap3A_21], %add3A_20 {strides = array<i32>} : memref<32x128xf32, #tpu.memory_space<vmem>>, vector<32x128xf32>,
    %eq3A_23 = arith.constant 122 : i32
    %eq3A_24 = arith.cmpi eq, %arg0, %eq3A_23 : i32
    %convert_element_type3A_25 = arith.extui %eq3A_24 : i1 to i32
    %cond3A_26 = arith.constant 0 : i32
    %cond3A_27 = arith.cmpi ne, %convert_element_type3A_25, %cond3A_26 : i32
    scf.if %cond3A_27 {
      %get3A_28 = arith.constant 0 : index
      %get3A_29 = arith.constant 0 : index
      %get3A_30 = vector.load %arg6[%get3A_28, %get3A_29] : memref<32x128xf32, #tpu.memory_space<vmem>>, vector<32x128xf32>
      %reduce_sum3A_31 = arith.constant dense<0.000000e+00> : vector<32xf32>
      %reduce_sum3A_32 = vector.multi_reduction <add>, %get3A_30, %reduce_sum3A_31 [1] : vector<32x128xf32> to vector<32xf32>
      %broadcast_in_dim3A_33 = vector.shape_cast %reduce_sum3A_32 : vector<32xf32> to vector<32x1xf32>
      %get3A_34 = arith.constant 0 : index
      %get3A_35 = arith.constant 0 : index
      %get3A_36 = vector.load %arg4[%get3A_34, %get3A_35] : memref<32x1xf32, #tpu.memory_space<vmem>>, vector<32x1xf32>
      %mul3A_37 = arith.mulf %broadcast_in_dim3A_33, %get3A_36 : vector<32x1xf32>
      %swap3A_38 = arith.constant 0 : index
      %swap3A_39 = arith.constant 0 : index
      %swap3A_40 = vector.load %arg5[%swap3A_38, %swap3A_39] : memref<32x1xf32, #tpu.memory_space<vmem>>, vector<32x1xf32>
      tpu.vector_store %arg5[%swap3A_38, %swap3A_39], %mul3A_37 {strides = array<i32>} : memref<32x1xf32, #tpu.memory_space<vmem>>, vector<32x1xf32>,
    } else {
    }
    return
  }
  func.func @transform_0(%arg0: i32) -> (i32, i32) {
    %c0_i32 = arith.constant 0 : i32
    %c0_i32_0 = arith.constant 0 : i32
    return %c0_i32, %arg0 : i32, i32
  }
  func.func @transform_1(%arg0: i32) -> i32 {
    %c0_i32 = arith.constant 0 : i32
    return %arg0 : i32
  }
  func.func @transform_2(%arg0: i32) -> i32 {
    %add3A = arith.constant 123 : i32
    %add3A_0 = arith.addi %arg0, %add3A : i32
    %c0_i32 = arith.constant 0 : i32
    return %add3A_0 : i32
  }
  func.func @transform_3(%arg0: i32) -> (i32, i32) {
    %c0_i32 = arith.constant 0 : i32
    %c0_i32_0 = arith.constant 0 : i32
    %c0_i32_1 = arith.constant 0 : i32
    return %c0_i32, %c0_i32_0 : i32, i32
  }
  func.func @transform_4(%arg0: i32) -> (i32, i32) {
    %c0_i32 = arith.constant 0 : i32
    %c0_i32_0 = arith.constant 0 : i32
    %c0_i32_1 = arith.constant 0 : i32
    return %c0_i32, %c0_i32_0 : i32, i32
  }
}

</mosaic_0001>

<sc_bundles>
// kernel: _run.4.cloned.1.call-start
scs
__scs_entry_jumppad:
0x0: {  	(pc) =	sbr.rel $0x88, $3  }
0x1: {  	(tag) =	ssettag $0x0;
	lr =	simm.s32 $0x1  }
0x2: {  	[smem:$0x3F9E] =	sst lr;
	_ =	strace $0xD0000000  }
0x3: {  	_ = 	snop  }
0x4: {  	_ = 	snop  }
0x5: {  	_ = 	snop  }
0x6: {  	_ = 	snop  }
0x7: {  	_ = 	snop  }
__scs_overlays_trampoline_lowered:
0x8: {  	[smem:$0x3FAD] =	sst s0  }
0x9: {  	[smem:$0x3FAE] =	sst s1  }
0xa: {  	[smem:$0x3FAF] =	sst s2  }
0xb: {  	[smem:$0x3FB0] =	sst s3  }
0xc: {  	[smem:$0x3FB1] =	sst s4  }
0xd: {  	[smem:$0x3FB2] =	sst s5  }
0xe: {  	[smem:$0x3FB3] =	sst s6  }
0xf: {  	[smem:$0x3FB4] =	sst s7  }
0x10: {  	[smem:$0x3FB5] =	sst s8  }
0x11: {  	[smem:$0x3FB6] =	sst s9;
	s0 =	simm.s32 @!p0 $0x0  }
0x12: {  	s1 =	sld [smem:$0x3F9C];
	s0 =	simm.s32 @p0 $0x1  }
0x13: {  	[smem:$0x3FB7] =	sst s0;
	s0 =	simm.s32 @!p1 $0x0  }
0x14: {  	s2 =	sld [smem:$0x3F9B];
	s0 =	simm.s32 @p1 $0x1  }
0x15: {  	[smem:$0x3FB8] =	sst s0;
	s0 =	simm.s32 @!p2 $0x0  }
0x16: {  	s3 =	sld [smem:$0x3FDB];
	s0 =	simm.s32 @p2 $0x1  }
0x17: {  	s4 =	simm.s32 $0x1BF5;
	[smem:$0x3FBA] =	sst s0  }
0x18: {  	s0 =	sld [smem:$0x3F9D];
	_ =	swait.ge [sflag:s4], $0x0  }
0x19: {  	s7 =	sld [smem:$0x3F9E]  }
0x1a: {  	s8 =	sadd.s32 $0xFFFFE003, lr  }
0x1b: {  	s9 =	sadd.s32 $0xFFFFFEF7, lr;
	s5 =	simm.s32 $0xFFFFFFFF;
	p2 =	slt.u32 s8, $0xFFFFF086  }
0x1c: {  	p1 =	slt.u32 s9, $0xF7A;
	s5 =	simm.s32 @!p2 $0x0  }
0x1d: {  	s5 =	simm.s32 @p1 $0x1;
	p0 =	seq.s32 s7, s2  }
0x1e: {  	s7 =	smul.u32 @!p0 $0xF7A, s2;
	p2 =	seq.s32 @!p0 s5, $0x0  }
0x1f: {  	s9 =	smul.u32 $0xF7A, s1;
	s8 =	simm.s32 @!p0 $0x1BF5;
	p2 =	por !p2, p0  }
0x20: {  	[sflag:s8] =	ssyncset.s32 @!p0 $0xFFFFF086;
	s6 =	sadd.s32 @!p0 s3, s7;
	s7 =	simm.s32 @!p0 $0x108  }
0x21: {  	s3 =	sadd.s32 s3, s9;
	s6 =	sadd.s32 @!p0 $0x88, s6;
	s7 =	simm.s32 @p2 $0x1082  }
0x22: {  	[simem:s7], [sflag:s8] =	dma.local @!p0 [hbm:s6], $0xF7A  }
0x23: {  	s9 =	sor.u32 $0xD0000000, s2;
	s6 =	simm.s32 $0x108;
	_ =	swait.ge @!p0 [sflag:s8], $0x0  }
0x24: {  	s3 =	sadd.s32 $0x88, s3;
	s6 =	simm.s32 @!p1 $0x1082;
	[sflag:s4] =	ssyncset.s32 $0xFFFFF086  }
0x25: {  	[simem:s6], [sflag:s4] =	dma.local [hbm:s3], $0xF7A  }
0x26: {  	[smem:$0x3F9E] =	sst s1;
	(tag) =	ssettag s2;
	_ =	strace s9  }
0x27: {  	s1 =	sld [smem:$0x3FAE]  }
0x28: {  	s2 =	sld [smem:$0x3FAF]  }
0x29: {  	s4 =	sld [smem:$0x3FB1]  }
0x2a: {  	p0 =	seq.s32 s5, $0x0;
	s5 =	sld [smem:$0x3FB2]  }
0x2b: {  	s6 =	sld [smem:$0x3FB3]  }
0x2c: {  	s7 =	sld [smem:$0x3FB4]  }
0x2d: {  	s3 =	simm.s32 $0x108;
	s8 =	sld [smem:$0x3FB5]  }
0x2e: {  	s3 =	simm.s32 @!p0 $0x1082;
	s9 =	sld [smem:$0x3FB6]  }
0x2f: {  	lr =	sadd.s32 s0, s3;
	s0 =	sld [smem:$0x3FAD]  }
0x30: {  	s3 =	sld [smem:$0x3FB0]  }
0x31: {  	[smem:$0x3FB9] =	sst s10  }
0x32: {  	s10 =	sld [smem:$0x3FB7];
	_ =	sdelay $0x3  }
0x33: {  	p0 =	seq.s32 s10, $0x1;
	s10 =	sld [smem:$0x3FB9];
	_ =	sdelay $0x3  }
0x34: {  	[smem:$0x3FB9] =	sst s10  }
0x35: {  	s10 =	sld [smem:$0x3FB8];
	_ =	sdelay $0x3  }
0x36: {  	p1 =	seq.s32 s10, $0x1;
	s10 =	sld [smem:$0x3FB9];
	_ =	sdelay $0x3  }
0x37: {  	[smem:$0x3FB9] =	sst s10  }
0x38: {  	s10 =	sld [smem:$0x3FBA]  }
0x39: {  	_ = 	snop;
	(pc) =	sbr.ind lr, $3  }
0x3a: {  	_ = 	snop  }
0x3b: {  	_ = 	snop  }
0x3c: {  	p2 =	seq.s32 s10, $0x1;
	s10 =	sld [smem:$0x3FB9]  }
0x3d: {  	_ =	shalt  }
0x3e: {  	_ =	shalt  }
0x3f: {  	_ =	shalt  }
0x40: {  	_ =	shalt  }
0x41: {  	_ =	shalt  }
0x42: {  	_ =	shalt  }
0x43: {  	_ =	shalt  }
0x44: {  	_ =	shalt  }
0x45: {  	_ =	shalt  }
0x46: {  	_ =	shalt  }
0x47: {  	_ =	shalt  }
0x48: {  	_ =	shalt  }
0x49: {  	_ =	shalt  }
0x4a: {  	_ =	shalt  }
0x4b: {  	_ =	shalt  }
0x4c: {  	_ =	shalt  }
0x4d: {  	_ =	shalt  }
0x4e: {  	_ =	shalt  }
0x4f: {  	_ =	shalt  }
0x50: {  	_ =	shalt  }
0x51: {  	_ =	shalt  }
0x52: {  	_ =	shalt  }
0x53: {  	_ =	shalt  }
0x54: {  	_ =	shalt  }
0x55: {  	_ =	shalt  }
0x56: {  	_ =	shalt  }
0x57: {  	_ =	shalt  }
0x58: {  	_ =	shalt  }
0x59: {  	_ =	shalt  }
0x5a: {  	_ =	shalt  }
0x5b: {  	_ =	shalt  }
0x5c: {  	_ =	shalt  }
0x5d: {  	_ =	shalt  }
0x5e: {  	_ =	shalt  }
0x5f: {  	_ =	shalt  }
0x60: {  	_ =	shalt  }
0x61: {  	_ =	shalt  }
0x62: {  	_ =	shalt  }
0x63: {  	_ =	shalt  }
0x64: {  	_ =	shalt  }
0x65: {  	_ =	shalt  }
0x66: {  	_ =	shalt  }
0x67: {  	_ =	shalt  }
0x68: {  	_ =	shalt  }
0x69: {  	_ =	shalt  }
0x6a: {  	_ =	shalt  }
0x6b: {  	_ =	shalt  }
0x6c: {  	_ =	shalt  }
0x6d: {  	_ =	shalt  }
0x6e: {  	_ =	shalt  }
0x6f: {  	_ =	shalt  }
0x70: {  	_ =	shalt  }
0x71: {  	_ =	shalt  }
0x72: {  	_ =	shalt  }
0x73: {  	_ =	shalt  }
0x74: {  	_ =	shalt  }
0x75: {  	_ =	shalt  }
0x76: {  	_ =	shalt  }
0x77: {  	_ =	shalt  }
0x78: {  	_ =	shalt  }
0x79: {  	_ =	shalt  }
0x7a: {  	_ =	shalt  }
0x7b: {  	_ =	shalt  }
0x7c: {  	_ =	shalt  }
0x7d: {  	_ =	shalt  }
0x7e: {  	_ =	shalt  }
0x7f: {  	_ =	shalt  }
0x80: {  	_ =	shalt  }
0x81: {  	_ =	shalt  }
0x82: {  	_ =	shalt  }
0x83: {  	_ =	shalt  }
0x84: {  	_ =	shalt  }
0x85: {  	_ =	shalt  }
0x86: {  	_ =	shalt  }
0x87: {  	_ =	shalt  }
.Lfunc_end0:
.L_simem_size_0:
called_computation_lowered:
.L_overlay_start_0:
0x88: {  	s2 =	sld [smem:$0x3FD9]  }
0x89: {  	s3 =	sld [smem:$0x3FFE];
	_ =	sdelay $0x1  }
0x8a: {  	s1 =	srdreg.scid  }
0x8b: {  	s0 =	sand.u32 $0x1, s1  }
0x8c: {  	s17 =	sshll.u32 s0, $0xA;
	s2 =	sadd.s32 s3, s2  }
0x8d: {  	s2 =	sadd.s32 s2, s17  }
0x8e: {  	[smem:$0x3FC5] =	sst s2  }
0x8f: {  	_ = 	snop  }
0x90: {  	s2 =	sld [smem:$0x3FC9];
	(tm) =	ssettm $0x1  }
0x91: {  	s18 =	sld [smem:$0x3FFB];
	_ =	sdelay $0x3  }
0x92: {  	_ =	strace s18  }
0x93: {  	s3 =	sld [smem:$0x3FFC];
	_ =	sdelay $0x3  }
0x94: {  	_ =	strace s3  }
0x95: {  	s3 =	sld [smem:$0x3FFD];
	_ =	sdelay $0x3  }
0x96: {  	_ =	strace s3  }
0x97: {  	_ =	strace $0x8FFFFFFF  }
0x98: {  	s19 =	sld [smem:$0x3FDB];
	_ =	sdelay $0x1  }
0x99: {  	s4 =	simm.s32 $_scs_section_size  }
0x9a: {  	s5 =	simm.s32 $_size__tile_overlayer_lowered;
	s6 =	simm.s32 $_tile_overlayer_lowered  }
0x9b: {  	s22 =	simm.s32 $0x1BFF;
	s21 =	sshll.u32 s6, $0x1;
	s3 =	sadd.s32 s4, s19  }
0x9c: {  	s7 =	simm.s32 $0x0;
	s20 =	sshll.u32 s5, $0x1;
	s5 =	sadd.s32 s21, s3  }
0x9d: {  	[timem:s7], [sflag:s22] =	dma.local [hbm:s5], s20  }
0x9e: {  	_ =	swait.ge [sflag:s22], s20  }
0x9f: {  	s4 =	ssub.s32 $0x0, s20;
	[sflag:s22] =	ssyncset.done $0x0  }
0xa0: {  	[sflag:s22] =	ssyncadd.s32 s4;
	_ =	sdelay $0x1  }
0xa1: {  	s23 =	simm.s32 $0x1B8B  }
0xa2: {  	_ =	swait.ge [sflag:s23], $0x1  }
0xa3: {  	[sflag:s23] =	ssyncset.done $0x0  }
0xa4: {  	s25 =	simm.s32 $0x1B8E;
	s24 =	sld [smem:$0x3FFE];
	[sflag:s23] =	ssyncadd.s32 $0xFFFFFFFF  }
0xa5: {  	s26 =	simm.s32 $execute0_lowered;
	[smem:$0x3FD2] =	sst s25  }
0xa6: {  	s5 =	sshll.u32 s26, $0x1;
	_ =	strace $0x80000046;
	[dreg:$0x1] =	wrdreg $0xFFFFFFFF  }
0xa7: {  	s28 =	simm.s32 $_size_execute0_lowered;
	s3 =	sadd.s32 s3, s5;
	[dreg:$0x0] =	wrdreg $0x0  }
0xa8: {  	s5 =	sshll.u32 s28, $0x1;
	[dreg:$0x2] =	wrdreg s3  }
0xa9: {  	[dreg:$0x3] =	wrdreg s5  }
0xaa: {  	[dreg:$0x4] =	wrdreg $0xC0  }
0xab: {  	_ =	task [dreg:s7], $0x5FFFF  }
0xac: {  	[dreg:$0x1] =	wrdreg $0xFFFFFFFF  }
0xad: {  	[dreg:$0x0] =	wrdreg $0x60  }
0xae: {  	[dreg:$0x2] =	wrdreg s2  }
0xaf: {  	[dreg:$0x3] =	wrdreg s24  }
0xb0: {  	[dreg:$0x4] =	wrdreg $0x51000  }
0xb1: {  	[dreg:$0x5] =	wrdreg $0x9  }
0xb2: {  	_ =	task.clear_ibuf [dreg:s7], $0x6FFFF;
	_ =	strace $0x90000046  }
0xb3: {  	s29 =	simm.s32 $0x9;
	_ =	strace $0x80000048  }
0xb4: {  	_ =	swait.ge [sflag:s29], $0x1  }
0xb5: {  	[sflag:s29] =	ssyncadd.s32 $0xFFFFFFFF  }
0xb6: {  	_ =	strace $0x90000048  }
0xb7: {  	_ =	sfence  }
0xb8: {  	s30 =	sld [smem:$0x0];
	_ =	sdelay $0x2  }
0xb9: {  	s31 =	sshll.u32 s1, $0xD;
	s1 =	sshrl.u32 s1, $0x2  }
0xba: {  	s3 =	sand.u32 $0x4000, s31;
	s1 =	sadd.s32 s1, s30  }
0xbb: {  	s0 =	sor.u32 s3, s0;
	s1 =	sshll.u32 s1, $0x11  }
0xbc: {  	s0 =	sor.u32 s1, s0  }
0xbd: {  	s0 =	sadd.s32 $0x8F2B, s0  }
0xbe: {  	[sflag:s0] =	ssyncadd.remote.s32 $0x1  }
0xbf: {  	_ =	sfence.sel $0xFFFF  }
0xc0: {  	[dreg:$0x0] =	wrdreg $0xFFFFFFFF;
	(pc) =	sbr.abs _section_cstart, $3  }
0xc1: {  	[dreg:$0x1] =	wrdreg $0xFFFFFFFF  }
0xc2: {  	_ =	task.clear_ibuf [dreg:s7], $0x2FFFF;
	_ =	strace $0x9FFFFFFF  }
0xc3: {  	(tm) =	ssettm $0x7FFFFFFF  }
tec
execute0_lowered:
.L_overlay_start_1:
0x0: {  	(tag) =	ssettag $0x1  }
0x1: {  	s12 =	rddreg [dreg:$0x0]  }
0x2: {  	s22 =	rddreg [dreg:$0x1]  }
0x3: {  	s2 =	rddreg [dreg:$0x2];
	s3 =	simm.s32 $0x0  }
0x4: {  	s1 =	stileid.u32;
	[smem:$0x7FF] =	sst s3  }
0x5: {  	s0 =	sadd.s32 $0x200, s22;
	s7 =	smul.u32 $0x61A80, s1;
	p0 =	sgt.u32 s1, $0x9  }
0x6: {  	_ =	strace $0x80000047;
	[dreg:$0x4] =	wrdreg s0;
	s5 =	simm.s32 @!p0 $0x0  }
0x7: {  	s6 =	simm.s32 @!p0 $0x280;
	s4 =	simm.s32 @!p0 $0x1;
	s0 =	rddreg [dreg:$0x4]  }
0x8: {  	[tilespmem:s6], [sflag:$0x1] =	stream.linear.gather @!p0 [hbm4b:s0+s5], $0x4E80, $0x38;
	[tilespmem:$0x14528] =	vst v63  }
0x9: {  	_ =	swait.ge @!p0 [sflag:s4], $0x4E80  }
0xa: {  	s24 =	sshrl.u32 s7, $0x2;
	[sflag:s4] =	ssyncset.done @!p0 $0x0  }
0xb: {  	s7 =	sadd.s32 s24, s2;
	[sflag:s4] =	ssyncadd.s32 @!p0 $0xFFFFB180  }
0xc: {  	[spmem:s7] =	stream.linear.scatter @!p0 [tilespmem:s6], [sflag:$0x1], $0x4E20, $0x38;
	[tilespmem:$0x14528] =	vst v63  }
0xd: {  	_ =	swait.ge @!p0 [sflag:s4], $0x4E20  }
0xe: {  	[sflag:s4] =	ssyncset.done @!p0 $0x0  }
0xf: {  	s8 =	sadd.s32 $0x4E20, s7;
	[sflag:s4] =	ssyncadd.s32 @!p0 $0xFFFFB1E0  }
0x10: {  	[spmem:s8] =	stream.linear.scatter @!p0 [tilespmem:s6], [sflag:$0x1], $0x4E20, $0x38;
	[tilespmem:$0x14528] =	vst v63  }
0x11: {  	_ =	swait.ge @!p0 [sflag:s4], $0x4E20  }
0x12: {  	[sflag:s4] =	ssyncset.done @!p0 $0x0  }
0x13: {  	s9 =	sadd.s32 $0x9C40, s7;
	[sflag:s4] =	ssyncadd.s32 @!p0 $0xFFFFB1E0  }
0x14: {  	[spmem:s9] =	stream.linear.scatter @!p0 [tilespmem:s6], [sflag:$0x1], $0x4E20, $0x38;
	[tilespmem:$0x14528] =	vst v63  }
0x15: {  	_ =	swait.ge @!p0 [sflag:s4], $0x4E20  }
0x16: {  	[sflag:s4] =	ssyncset.done @!p0 $0x0  }
0x17: {  	s10 =	sadd.s32 $0xEA60, s7;
	[sflag:s4] =	ssyncadd.s32 @!p0 $0xFFFFB1E0  }
0x18: {  	[spmem:s10] =	stream.linear.scatter @!p0 [tilespmem:s6], [sflag:$0x1], $0x4E20, $0x38;
	[tilespmem:$0x14528] =	vst v63  }
0x19: {  	_ =	swait.ge @!p0 [sflag:s4], $0x4E20  }
0x1a: {  	s25 =	srdreg.scid;
	[sflag:s4] =	ssyncset.done @!p0 $0x0  }
0x1b: {  	s0 =	sand.u32 $0x1, s25;
	s11 =	sadd.s32 $0x13880, s7;
	[sflag:s4] =	ssyncadd.s32 @!p0 $0xFFFFB1E0  }
0x1c: {  	[spmem:s11] =	stream.linear.scatter @!p0 [tilespmem:s6], [sflag:$0x1], $0x4E20, $0x38;
	[tilespmem:$0x14528] =	vst v63  }
0x1d: {  	s14 =	sshll.u32 s1, $0x6;
	s13 =	sshll.u32 s0, $0xA;
	_ =	swait.ge @!p0 [sflag:s4], $0x4E20  }
0x1e: {  	s13 =	sor.u32 s14, s13;
	[sflag:s4] =	ssyncset.done @!p0 $0x0  }
0x1f: {  	s12 =	sadd.s32 s12, s13;
	s13 =	simm.s32 $0x1;
	[sflag:s4] =	ssyncadd.s32 @!p0 $0xFFFFB1E0  }
0x20: {  	[tilespmem:s3], [sflag:$0x1] =	stream.linear.gather [hbm4b:s12+s3], $0x80, $0x38;
	[tilespmem:$0x14528] =	vst v63  }
0x21: {  	_ =	swait.ge [sflag:s13], $0x80  }
0x22: {  	[sflag:s13] =	ssyncset.done $0x0  }
0x23: {  	s15 =	simm.s32 $0x80;
	s14 =	sadd.s32 $0x10, s12;
	[sflag:s13] =	ssyncadd.s32 $0xFFFFFF80  }
0x24: {  	[tilespmem:s15], [sflag:$0x1] =	stream.linear.gather [hbm4b:s14+s3], $0x80, $0x38;
	[tilespmem:$0x14528] =	vst v63  }
0x25: {  	_ =	swait.ge [sflag:s13], $0x80  }
0x26: {  	[sflag:s13] =	ssyncset.done $0x0  }
0x27: {  	s17 =	simm.s32 $0x100;
	s16 =	sadd.s32 $0x20, s12;
	[sflag:s13] =	ssyncadd.s32 $0xFFFFFF80  }
0x28: {  	[tilespmem:s17], [sflag:$0x1] =	stream.linear.gather [hbm4b:s16+s3], $0x80, $0x38;
	[tilespmem:$0x14528] =	vst v63  }
0x29: {  	_ =	swait.ge [sflag:s13], $0x80  }
0x2a: {  	[sflag:s13] =	ssyncset.done $0x0  }
0x2b: {  	s19 =	simm.s32 $0x180;
	s18 =	sadd.s32 $0x30, s12;
	[sflag:s13] =	ssyncadd.s32 $0xFFFFFF80  }
0x2c: {  	[tilespmem:s19], [sflag:$0x1] =	stream.linear.gather [hbm4b:s18+s3], $0x80, $0x38;
	[tilespmem:$0x14528] =	vst v63  }
0x2d: {  	_ =	swait.ge [sflag:s13], $0x80  }
0x2e: {  	[sflag:s13] =	ssyncset.done $0x0  }
0x2f: {  	v0 =	vimm.f32 $1.000000000e+00;
	[sflag:s13] =	ssyncadd.s32 $0xFFFFFF80  }
0x30: {  	[tilespmem:$0x270] =	vst v0  }
0x31: {  	[tilespmem:$0x250] =	vst v0  }
0x32: {  	[tilespmem:$0x260] =	vst v0  }
0x33: {  	[tilespmem:$0x240] =	vst v0  }
0x34: {  	[tilespmem:$0x230] =	vst v0  }
0x35: {  	[tilespmem:$0x220] =	vst v0  }
0x36: {  	[tilespmem:$0x210] =	vst v0  }
0x37: {  	[tilespmem:$0x200] =	vst v0  }
0x38: {  	s20 =	simm.s32 $0x200;
	[bflag:$0x0] =	sbarrier.arrive $0xFFFF  }
0x39: {  	[spmem:s2] =	stream.indirect.scatter.add.f32 [tilespmem:s20], [sflag:$0x1], $0x1, s3, s15, $0xb8;
	[tilespmem:$0x14528] =	vst v63  }
0x3a: {  	_ =	swait.ge [sflag:s13], $0x80  }
0x3b: {  	[sflag:s13] =	ssyncset.done $0x0  }
0x3c: {  	[sflag:s13] =	ssyncadd.s32 $0xFFFFFF80  }
0x3d: {  	[spmem:s2] =	stream.indirect.scatter.add.f32 [tilespmem:s20], [sflag:$0x1], $0x1, s15, s15, $0xb8;
	[tilespmem:$0x14528] =	vst v63  }
0x3e: {  	_ =	swait.ge [sflag:s13], $0x80  }
0x3f: {  	[sflag:s13] =	ssyncset.done $0x0  }
0x40: {  	[sflag:s13] =	ssyncadd.s32 $0xFFFFFF80  }
0x41: {  	[spmem:s2] =	stream.indirect.scatter.add.f32 [tilespmem:s20], [sflag:$0x1], $0x1, s17, s15, $0xb8;
	[tilespmem:$0x14528] =	vst v63  }
0x42: {  	_ =	swait.ge [sflag:s13], $0x80  }
0x43: {  	[sflag:s13] =	ssyncset.done $0x0  }
0x44: {  	[sflag:s13] =	ssyncadd.s32 $0xFFFFFF80  }
0x45: {  	[spmem:s2] =	stream.indirect.scatter.add.f32 [tilespmem:s20], [sflag:$0x1], $0x1, s19, s15, $0xb8;
	[tilespmem:$0x14528] =	vst v63  }
0x46: {  	_ =	swait.ge [sflag:s13], $0x80  }
0x47: {  	s30 =	smul.u32 $0x186A0, s1;
	[sflag:s13] =	ssyncset.done $0x0  }
0x48: {  	[sflag:s13] =	ssyncadd.s32 $0xFFFFFF80  }
0x49: {  	s21 =	sadd.s32 s30, s2;
	s31 =	smul.u32 $0xF6000, s0;
	[bflag:$0x0] =	sbarrier.arrive $0xFFFF  }
0x4a: {  	[tilespmem:s6], [sflag:$0x1] =	stream.linear.gather @!p0 [spmem:s21], $0x4E20, $0x38;
	[tilespmem:$0x14528] =	vst v63  }
0x4b: {  	s1 =	sadd.s32 $0xC00, s22;
	s23 =	sadd.s32 s30, s31;
	_ =	swait.ge @!p0 [sflag:s4], $0x4E20  }
0x4c: {  	s26 =	sshrl.u32 s23, $0x3;
	[dreg:$0x6] =	wrdreg s31;
	[sflag:s4] =	ssyncset.done @!p0 $0x0  }
0x4d: {  	s22 =	sadd.s32 s1, s26;
	[dreg:$0x5] =	wrdreg s1;
	[sflag:s4] =	ssyncadd.s32 @!p0 $0xFFFFB1E0  }
0x4e: {  	[hbm4b:s22+s5] =	stream.linear.scatter @!p0 [tilespmem:s6], [sflag:$0x1], $0x4E20, $0x38;
	[tilespmem:$0x14528] =	vst v63  }
0x4f: {  	_ =	swait.ge @!p0 [sflag:s4], $0x4E20  }
0x50: {  	s24 =	sadd.s32 $0x4E20, s30;
	[sflag:s4] =	ssyncset.done @!p0 $0x0  }
0x51: {  	s23 =	sadd.s32 s24, s2;
	[sflag:s4] =	ssyncadd.s32 @!p0 $0xFFFFB1E0  }
0x52: {  	[tilespmem:s6], [sflag:$0x1] =	stream.linear.gather @!p0 [spmem:s23], $0x4E20, $0x38;
	[tilespmem:$0x14528] =	vst v63  }
0x53: {  	s24 =	sadd.s32 s31, s24;
	_ =	swait.ge @!p0 [sflag:s4], $0x4E20  }
0x54: {  	s24 =	sshrl.u32 s24, $0x3;
	[sflag:s4] =	ssyncset.done @!p0 $0x0  }
0x55: {  	s24 =	sadd.s32 s1, s24;
	[sflag:s4] =	ssyncadd.s32 @!p0 $0xFFFFB1E0  }
0x56: {  	[hbm4b:s24+s5] =	stream.linear.scatter @!p0 [tilespmem:s6], [sflag:$0x1], $0x4E20, $0x38;
	[tilespmem:$0x14528] =	vst v63  }
0x57: {  	_ =	swait.ge @!p0 [sflag:s4], $0x4E20  }
0x58: {  	s26 =	sadd.s32 $0x9C40, s30;
	[sflag:s4] =	ssyncset.done @!p0 $0x0  }
0x59: {  	s25 =	sadd.s32 s26, s2;
	[sflag:s4] =	ssyncadd.s32 @!p0 $0xFFFFB1E0  }
0x5a: {  	[tilespmem:s6], [sflag:$0x1] =	stream.linear.gather @!p0 [spmem:s25], $0x4E20, $0x38;
	[tilespmem:$0x14528] =	vst v63  }
0x5b: {  	s26 =	sadd.s32 s31, s26;
	_ =	swait.ge @!p0 [sflag:s4], $0x4E20  }
0x5c: {  	s26 =	sshrl.u32 s26, $0x3;
	[sflag:s4] =	ssyncset.done @!p0 $0x0  }
0x5d: {  	s26 =	sadd.s32 s1, s26;
	[sflag:s4] =	ssyncadd.s32 @!p0 $0xFFFFB1E0  }
0x5e: {  	[hbm4b:s26+s5] =	stream.linear.scatter @!p0 [tilespmem:s6], [sflag:$0x1], $0x4E20, $0x38;
	[tilespmem:$0x14528] =	vst v63  }
0x5f: {  	_ =	swait.ge @!p0 [sflag:s4], $0x4E20  }
0x60: {  	s29 =	sadd.s32 $0xEA60, s30;
	[sflag:s4] =	ssyncset.done @!p0 $0x0  }
0x61: {  	s28 =	sadd.s32 s29, s2;
	[sflag:s4] =	ssyncadd.s32 @!p0 $0xFFFFB1E0  }
0x62: {  	[tilespmem:s6], [sflag:$0x1] =	stream.linear.gather @!p0 [spmem:s28], $0x4E20, $0x38;
	[tilespmem:$0x14528] =	vst v63  }
0x63: {  	s0 =	ssub.s32 $0x2, s0;
	s29 =	sadd.s32 s31, s29;
	_ =	swait.ge @!p0 [sflag:s4], $0x4E20  }
0x64: {  	s29 =	sshrl.u32 s29, $0x3;
	s31 =	sshrl.u32 s0, $0x1;
	[sflag:s4] =	ssyncset.done @!p0 $0x0  }
0x65: {  	s29 =	sadd.s32 s1, s29;
	s0 =	ssub.s32 s0, s31;
	[sflag:s4] =	ssyncadd.s32 @!p0 $0xFFFFB1E0  }
0x66: {  	[hbm4b:s29+s5] =	stream.linear.scatter @!p0 [tilespmem:s6], [sflag:$0x1], $0x4E20, $0x38;
	[tilespmem:$0x14528] =	vst v63  }
0x67: {  	s1 =	sadd.s32 $0x13880, s30;
	s0 =	smax.u32 s0, $0x1;
	_ =	swait.ge @!p0 [sflag:s4], $0x4E20  }
0x68: {  	s30 =	sadd.s32 s1, s2;
	s0 =	sadd.s32 $0xFFFFFFFF, s0;
	[sflag:s4] =	ssyncset.done @!p0 $0x0  }
0x69: {  	p1 =	sne.s32 s0, $0x0;
	s31 =	rddreg [dreg:$0x6];
	[sflag:s4] =	ssyncadd.s32 @!p0 $0xFFFFB1E0  }
0x6a: {  	[tilespmem:s6], [sflag:$0x1] =	stream.linear.gather @!p0 [spmem:s30], $0x4E20, $0x38;
	[tilespmem:$0x14528] =	vst v63  }
.Ltmp0:
0x6b: {  	s1 =	sadd.s32 s31, s1;
	_ =	swait.ge @!p0 [sflag:s4], $0x4E20;
	(pc) =	sbr.rel @!p1 .LBB2_2-.Ltmp0, $4  }
0x6c: {  	s1 =	sshrl.u32 s1, $0x3;
	[sflag:s4] =	ssyncset.done @!p0 $0x0;
	s31 =	rddreg [dreg:$0x5]  }
0x6d: {  	s31 =	sadd.s32 s31, s1;
	[sflag:s4] =	ssyncadd.s32 @!p0 $0xFFFFB1E0  }
0x6e: {  	[hbm4b:s31+s5] =	stream.linear.scatter @!p0 [tilespmem:s6], [sflag:$0x1], $0x4E20, $0x38;
	[tilespmem:$0x14528] =	vst v63  }
0x6f: {  	_ =	swait.ge @!p0 [sflag:s4], $0x4E20  }
.LBB2_1:
0x70: {  	[sflag:s4] =	ssyncset.done @!p0 $0x0  }
0x71: {  	s1 =	rddreg [dreg:$0x4];
	[sflag:s4] =	ssyncadd.s32 @!p0 $0xFFFFB1E0  }
0x72: {  	[tilespmem:s6], [sflag:$0x1] =	stream.linear.gather @!p0 [hbm4b:s1+s5], $0x4E80, $0x38;
	[tilespmem:$0x14528] =	vst v63  }
0x73: {  	_ =	swait.ge @!p0 [sflag:s4], $0x4E80  }
0x74: {  	[sflag:s4] =	ssyncset.done @!p0 $0x0  }
0x75: {  	[sflag:s4] =	ssyncadd.s32 @!p0 $0xFFFFB180  }
0x76: {  	[spmem:s7] =	stream.linear.scatter @!p0 [tilespmem:s6], [sflag:$0x1], $0x4E20, $0x38;
	[tilespmem:$0x14528] =	vst v63  }
0x77: {  	_ =	swait.ge @!p0 [sflag:s4], $0x4E20  }
0x78: {  	[sflag:s4] =	ssyncset.done @!p0 $0x0  }
0x79: {  	[sflag:s4] =	ssyncadd.s32 @!p0 $0xFFFFB1E0  }
0x7a: {  	[spmem:s8] =	stream.linear.scatter @!p0 [tilespmem:s6], [sflag:$0x1], $0x4E20, $0x38;
	[tilespmem:$0x14528] =	vst v63  }
0x7b: {  	_ =	swait.ge @!p0 [sflag:s4], $0x4E20  }
0x7c: {  	[sflag:s4] =	ssyncset.done @!p0 $0x0  }
0x7d: {  	[sflag:s4] =	ssyncadd.s32 @!p0 $0xFFFFB1E0  }
0x7e: {  	[spmem:s9] =	stream.linear.scatter @!p0 [tilespmem:s6], [sflag:$0x1], $0x4E20, $0x38;
	[tilespmem:$0x14528] =	vst v63  }
0x7f: {  	_ =	swait.ge @!p0 [sflag:s4], $0x4E20  }
0x80: {  	[sflag:s4] =	ssyncset.done @!p0 $0x0  }
0x81: {  	[sflag:s4] =	ssyncadd.s32 @!p0 $0xFFFFB1E0  }
0x82: {  	[spmem:s10] =	stream.linear.scatter @!p0 [tilespmem:s6], [sflag:$0x1], $0x4E20, $0x38;
	[tilespmem:$0x14528] =	vst v63  }
0x83: {  	_ =	swait.ge @!p0 [sflag:s4], $0x4E20  }
0x84: {  	[sflag:s4] =	ssyncset.done @!p0 $0x0  }
0x85: {  	[sflag:s4] =	ssyncadd.s32 @!p0 $0xFFFFB1E0  }
0x86: {  	[spmem:s11] =	stream.linear.scatter @!p0 [tilespmem:s6], [sflag:$0x1], $0x4E20, $0x38;
	[tilespmem:$0x14528] =	vst v63  }
0x87: {  	_ =	swait.ge @!p0 [sflag:s4], $0x4E20  }
0x88: {  	[sflag:s4] =	ssyncset.done @!p0 $0x0  }
0x89: {  	[sflag:s4] =	ssyncadd.s32 @!p0 $0xFFFFB1E0  }
0x8a: {  	[tilespmem:s3], [sflag:$0x1] =	stream.linear.gather [hbm4b:s12+s3], $0x80, $0x38;
	[tilespmem:$0x14528] =	vst v63  }
0x8b: {  	_ =	swait.ge [sflag:s13], $0x80  }
0x8c: {  	[sflag:s13] =	ssyncset.done $0x0  }
0x8d: {  	[sflag:s13] =	ssyncadd.s32 $0xFFFFFF80  }
0x8e: {  	[tilespmem:s15], [sflag:$0x1] =	stream.linear.gather [hbm4b:s14+s3], $0x80, $0x38;
	[tilespmem:$0x14528] =	vst v63  }
0x8f: {  	_ =	swait.ge [sflag:s13], $0x80  }
0x90: {  	[sflag:s13] =	ssyncset.done $0x0  }
0x91: {  	[sflag:s13] =	ssyncadd.s32 $0xFFFFFF80  }
0x92: {  	[tilespmem:s17], [sflag:$0x1] =	stream.linear.gather [hbm4b:s16+s3], $0x80, $0x38;
	[tilespmem:$0x14528] =	vst v63  }
0x93: {  	_ =	swait.ge [sflag:s13], $0x80  }
0x94: {  	[sflag:s13] =	ssyncset.done $0x0  }
0x95: {  	[sflag:s13] =	ssyncadd.s32 $0xFFFFFF80  }
0x96: {  	[tilespmem:s19], [sflag:$0x1] =	stream.linear.gather [hbm4b:s18+s3], $0x80, $0x38;
	[tilespmem:$0x14528] =	vst v63  }
0x97: {  	_ =	swait.ge [sflag:s13], $0x80  }
0x98: {  	[sflag:s13] =	ssyncset.done $0x0  }
0x99: {  	[sflag:s13] =	ssyncadd.s32 $0xFFFFFF80  }
0x9a: {  	[tilespmem:$0x270] =	vst v0  }
0x9b: {  	[tilespmem:$0x250] =	vst v0  }
0x9c: {  	[tilespmem:$0x260] =	vst v0  }
0x9d: {  	[tilespmem:$0x240] =	vst v0  }
0x9e: {  	[tilespmem:$0x230] =	vst v0  }
0x9f: {  	[tilespmem:$0x220] =	vst v0  }
0xa0: {  	[tilespmem:$0x210] =	vst v0  }
0xa1: {  	[tilespmem:$0x200] =	vst v0  }
0xa2: {  	[bflag:$0x0] =	sbarrier.arrive $0xFFFF  }
0xa3: {  	[spmem:s2] =	stream.indirect.scatter.add.f32 [tilespmem:s20], [sflag:$0x1], $0x1, s3, s15, $0xb8;
	[tilespmem:$0x14528] =	vst v63  }
0xa4: {  	_ =	swait.ge [sflag:s13], $0x80  }
0xa5: {  	[sflag:s13] =	ssyncset.done $0x0  }
0xa6: {  	[sflag:s13] =	ssyncadd.s32 $0xFFFFFF80  }
0xa7: {  	[spmem:s2] =	stream.indirect.scatter.add.f32 [tilespmem:s20], [sflag:$0x1], $0x1, s15, s15, $0xb8;
	[tilespmem:$0x14528] =	vst v63  }
0xa8: {  	_ =	swait.ge [sflag:s13], $0x80  }
0xa9: {  	[sflag:s13] =	ssyncset.done $0x0  }
0xaa: {  	[sflag:s13] =	ssyncadd.s32 $0xFFFFFF80  }
0xab: {  	[spmem:s2] =	stream.indirect.scatter.add.f32 [tilespmem:s20], [sflag:$0x1], $0x1, s17, s15, $0xb8;
	[tilespmem:$0x14528] =	vst v63  }
0xac: {  	_ =	swait.ge [sflag:s13], $0x80  }
0xad: {  	[sflag:s13] =	ssyncset.done $0x0  }
0xae: {  	[sflag:s13] =	ssyncadd.s32 $0xFFFFFF80  }
0xaf: {  	[spmem:s2] =	stream.indirect.scatter.add.f32 [tilespmem:s20], [sflag:$0x1], $0x1, s19, s15, $0xb8;
	[tilespmem:$0x14528] =	vst v63  }
0xb0: {  	_ =	swait.ge [sflag:s13], $0x80  }
0xb1: {  	[sflag:s13] =	ssyncset.done $0x0  }
0xb2: {  	[sflag:s13] =	ssyncadd.s32 $0xFFFFFF80  }
0xb3: {  	[bflag:$0x0] =	sbarrier.arrive $0xFFFF  }
0xb4: {  	[tilespmem:s6], [sflag:$0x1] =	stream.linear.gather @!p0 [spmem:s21], $0x4E20, $0x38;
	[tilespmem:$0x14528] =	vst v63  }
0xb5: {  	_ =	swait.ge @!p0 [sflag:s4], $0x4E20  }
0xb6: {  	[sflag:s4] =	ssyncset.done @!p0 $0x0  }
0xb7: {  	[sflag:s4] =	ssyncadd.s32 @!p0 $0xFFFFB1E0  }
0xb8: {  	[hbm4b:s22+s5] =	stream.linear.scatter @!p0 [tilespmem:s6], [sflag:$0x1], $0x4E20, $0x38;
	[tilespmem:$0x14528] =	vst v63  }
0xb9: {  	_ =	swait.ge @!p0 [sflag:s4], $0x4E20  }
0xba: {  	[sflag:s4] =	ssyncset.done @!p0 $0x0  }
0xbb: {  	[sflag:s4] =	ssyncadd.s32 @!p0 $0xFFFFB1E0  }
0xbc: {  	[tilespmem:s6], [sflag:$0x1] =	stream.linear.gather @!p0 [spmem:s23], $0x4E20, $0x38;
	[tilespmem:$0x14528] =	vst v63  }
0xbd: {  	_ =	swait.ge @!p0 [sflag:s4], $0x4E20  }
0xbe: {  	[sflag:s4] =	ssyncset.done @!p0 $0x0  }
0xbf: {  	[sflag:s4] =	ssyncadd.s32 @!p0 $0xFFFFB1E0  }
0xc0: {  	[hbm4b:s24+s5] =	stream.linear.scatter @!p0 [tilespmem:s6], [sflag:$0x1], $0x4E20, $0x38;
	[tilespmem:$0x14528] =	vst v63  }
0xc1: {  	_ =	swait.ge @!p0 [sflag:s4], $0x4E20  }
0xc2: {  	[sflag:s4] =	ssyncset.done @!p0 $0x0  }
0xc3: {  	[sflag:s4] =	ssyncadd.s32 @!p0 $0xFFFFB1E0  }
0xc4: {  	[tilespmem:s6], [sflag:$0x1] =	stream.linear.gather @!p0 [spmem:s25], $0x4E20, $0x38;
	[tilespmem:$0x14528] =	vst v63  }
0xc5: {  	_ =	swait.ge @!p0 [sflag:s4], $0x4E20  }
0xc6: {  	[sflag:s4] =	ssyncset.done @!p0 $0x0  }
0xc7: {  	[sflag:s4] =	ssyncadd.s32 @!p0 $0xFFFFB1E0  }
0xc8: {  	[hbm4b:s26+s5] =	stream.linear.scatter @!p0 [tilespmem:s6], [sflag:$0x1], $0x4E20, $0x38;
	[tilespmem:$0x14528] =	vst v63  }
0xc9: {  	_ =	swait.ge @!p0 [sflag:s4], $0x4E20  }
0xca: {  	[sflag:s4] =	ssyncset.done @!p0 $0x0  }
0xcb: {  	[sflag:s4] =	ssyncadd.s32 @!p0 $0xFFFFB1E0  }
0xcc: {  	[tilespmem:s6], [sflag:$0x1] =	stream.linear.gather @!p0 [spmem:s28], $0x4E20, $0x38;
	[tilespmem:$0x14528] =	vst v63  }
0xcd: {  	_ =	swait.ge @!p0 [sflag:s4], $0x4E20  }
0xce: {  	[sflag:s4] =	ssyncset.done @!p0 $0x0  }
0xcf: {  	[sflag:s4] =	ssyncadd.s32 @!p0 $0xFFFFB1E0  }
0xd0: {  	[hbm4b:s29+s5] =	stream.linear.scatter @!p0 [tilespmem:s6], [sflag:$0x1], $0x4E20, $0x38;
	[tilespmem:$0x14528] =	vst v63  }
0xd1: {  	_ =	swait.ge @!p0 [sflag:s4], $0x4E20  }
0xd2: {  	s0 =	sadd.s32 $0xFFFFFFFF, s0;
	[sflag:s4] =	ssyncset.done @!p0 $0x0  }
0xd3: {  	p1 =	sne.s32 s0, $0x0;
	[sflag:s4] =	ssyncadd.s32 @!p0 $0xFFFFB1E0  }
0xd4: {  	[tilespmem:s6], [sflag:$0x1] =	stream.linear.gather @!p0 [spmem:s30], $0x4E20, $0x38;
	[tilespmem:$0x14528] =	vst v63  }
.Ltmp1:
0xd5: {  	_ =	swait.ge @!p0 [sflag:s4], $0x4E20;
	(pc) =	sbr.rel @p1 .LBB2_1-.Ltmp1, $4  }
0xd6: {  	[sflag:s4] =	ssyncset.done @!p0 $0x0  }
0xd7: {  	[sflag:s4] =	ssyncadd.s32 @!p0 $0xFFFFB1E0  }
0xd8: {  	[hbm4b:s31+s5] =	stream.linear.scatter @!p0 [tilespmem:s6], [sflag:$0x1], $0x4E20, $0x38;
	[tilespmem:$0x14528] =	vst v63  }
0xd9: {  	_ =	swait.ge @!p0 [sflag:s4], $0x4E20  }
.LBB2_2:
0xda: {  	[sflag:s4] =	ssyncset.done @!p0 $0x0  }
0xdb: {  	[sflag:s4] =	ssyncadd.s32 @!p0 $0xFFFFB1E0  }
0xdc: {  	_ =	sfence.sel $0x180000  }
0xdd: {  	[bflag:$0x0] =	sbarrier.arrive $0xFFFF  }
0xde: {  	_ =	strace $0x90000047  }
0xdf: {  	s0 =	stileid.u32;
	[bflag:$0x2] =	sbarrier.arrive $0xFFFF  }
0xe0: {  	p0 =	sne.s32 s0, $0x0;
	s0 =	rddreg [dreg:$0x3]  }
0xe1: {  	s0 =	sadd.s32 @!p0 $0x100000, s0  }
0xe2: {  	[sflag:s0] =	ssyncadd.tile.s32 @!p0 $0x1;
	_ =	shalt  }
.Lfunc_end2:
_tile_overlayer_lowered:
.L_overlay_start_2:
0xe3: {  	(tag) =	ssettag $0x2  }
0xe4: {  	s0 =	rddreg [dreg:$0x0];
	s2 =	stileid.u32  }
0xe5: {  	s1 =	rddreg [dreg:$0x1];
	p0 =	sne.s32 s2, $0x0  }
0xe6: {  	s3 =	rddreg [dreg:$0x2];
	[bflag:$0x3] =	sbarrier.arrive $0xFFFF;
	s2 =	simm.s32 @!p0 $0x1C01  }
0xe7: {  	[timem:s3], [sflag:s2] =	dma.local @!p0 [hbm:s0], s1  }
0xe8: {  	s0 =	simm.s32 @!p0 $0x1  }
0xe9: {  	_ =	swait.ge @!p0 [sflag:s0], s1  }
0xea: {  	s1 =	ssub.s32 @!p0 $0x0, s1;
	[sflag:s0] =	ssyncset.done @!p0 $0x0  }
0xeb: {  	[sflag:s0] =	ssyncadd.s32 @!p0 s1  }
0xec: {  	[bflag:$0x3] =	sbarrier.arrive $0xFFFF  }
0xed: {  	_ =	shalt  }

</sc_bundles>
